<compile_context>
chip_gen: v7x
topology: tpu7x:2x2x1
jax: 0.10.2.dev20260603
libtpu: 0.0.44.dev20260713+nightly
codegen_flags: <defaults>
</compile_context>

<pallas_src>
import functools

import jax
import jax.numpy as jnp
from jax import lax
from jax.experimental import pallas as pl
from jax.experimental.pallas import tpu as pltpu
from jax.experimental.pallas import tpu_sc as plsc

B = 16384
IN_BITS = 18
NEURONS = 6
NB = 12
TABLE = 2 ** NB

_info = plsc.get_sparse_core_info()
NC = _info.num_cores
NS = _info.num_subcores
L = _info.num_lanes
NW = NC * NS
BPW = B // NW
CHUNKS = BPW // L
CONN_PAD = 96

_mesh = plsc.VectorSubcoreMesh(core_axis_name="c", subcore_axis_name="s")


@functools.partial(
    pl.kernel,
    mesh=_mesh,
    compiler_params=pltpu.CompilerParams(needs_layout_passes=False),
    out_type=jax.ShapeDtypeStruct((B * NEURONS,), jnp.float32),
    scratch_types=[
        pltpu.VMEM((IN_BITS * BPW,), jnp.int32),
        pltpu.VMEM((NEURONS * TABLE,), jnp.float32),
        pltpu.VMEM((CONN_PAD,), jnp.int32),
        pltpu.VMEM((BPW * NEURONS,), jnp.float32),
        pltpu.SemaphoreType.DMA,
    ],
)
def _ngram_kernel(
    xb_hbm, conn_hbm, mem_hbm, out_hbm, xb_v, tab_v, conn_v, out_v, sem
):
    wid = lax.axis_index("s") * NC + lax.axis_index("c")
    base = wid * BPW

    c_xb = pltpu.async_copy(
        xb_hbm.at[pl.ds(wid * IN_BITS * BPW, IN_BITS * BPW)], xb_v, sem
    )
    c_tab = pltpu.async_copy(mem_hbm, tab_v, sem)
    c_conn = pltpu.async_copy(conn_hbm, conn_v.at[pl.ds(0, NEURONS * NB)], sem)
    c_xb.wait()
    c_tab.wait()
    c_conn.wait()

    conn_rows = [conn_v[pl.ds(j * NB, L)] for j in range(NEURONS)]
    conns = [[conn_rows[j][k] for k in range(NB)] for j in range(NEURONS)]
    lane_iota = lax.iota(jnp.int32, L)

    def body(ci, carry):
        b0 = ci * L
        for j in range(NEURONS):
            acc = jnp.full((L,), j * TABLE, jnp.int32)
            for k in range(NB):
                bits = xb_v[pl.ds(conns[j][k] * BPW + b0, L)]
                acc = acc + (bits << (NB - 1 - k))
            vals = plsc.load_gather(tab_v, [acc])
            plsc.store_scatter(out_v, [(b0 + lane_iota) * NEURONS + j], vals)
        return carry

    lax.fori_loop(0, CHUNKS, body, 0)

    pltpu.sync_copy(out_v, out_hbm.at[pl.ds(base * NEURONS, BPW * NEURONS)])


def kernel(x_bits, connections, memory):
    xb_flat = (
        x_bits.astype(jnp.int32)
        .T.reshape(IN_BITS, NW, BPW)
        .transpose(1, 0, 2)
        .reshape(-1)
    )
    out = _ngram_kernel(
        xb_flat, connections.astype(jnp.int32).reshape(-1), memory.reshape(-1)
    )
    return out.reshape(B, NEURONS)

# --- scband reference (transcript-rebuilt; emitter-appended) ---
"""Pipeline reference for scband-ngram-language-model-77283641524451 (READ-ONLY COPY).

The authoritative reference and input builder live on the scoring server;
editing this copy changes nothing except your own understanding.
"""

import jax, jax.numpy as jnp
import numpy as np

# NGramLanguageModel(n=3): CharacterEncoder charset has 33 chars -> bits_per_char = 6
# RAMLayer(total_input_bits=18, num_neurons=6, n_bits_per_neuron=min(18,12)=12, rng=0)
# WiSARD-style weightless net: each neuron reads 12 randomly-assigned input bits,
# forms a 12-bit address, and looks up a 4096-entry RAM table.
B = 16384
IN_BITS = 18        # n * bits_per_char = 3 * 6
NEURONS = 6         # bits_per_char
NB = 12             # n_bits_per_neuron
TABLE = 2 ** NB     # 4096


def _make_connections(seed: int) -> np.ndarray:
    # Random assignment of input bits to neuron address lines, built from
    # repeated permutations so every input bit is covered (RAMLayer rng=seed).
    rng = np.random.RandomState(seed)
    idxs = []
    while len(idxs) < NEURONS * NB:
        idxs.extend(rng.permutation(IN_BITS).tolist())
    return np.asarray(idxs[: NEURONS * NB], dtype=np.int64).reshape(NEURONS, NB)


def setup_inputs(seed: int = 0) -> dict:
    key = jax.random.key(seed)
    k1, k2 = jax.random.split(key, 2)
    # binary input bits (uint8 0/1 in torch -> int32 here)
    x_bits = jax.random.randint(k1, (B, IN_BITS), 0, 2).astype(jnp.int32)
    connections = jnp.asarray(_make_connections(0))  # int64[NEURONS, NB]
    # RAM contents: one stored bit per (neuron, address); kept float32 so the
    # lookup is a dense-table gather (embedding lookup)
    memory = (jax.random.uniform(k2, (NEURONS, TABLE)) > 0.5).astype(jnp.float32)
    return {"x_bits": x_bits, "connections": connections, "memory": memory}


def reference(x_bits, connections, memory):
    # Gather each neuron's address-line bits: [B, NEURONS, NB]
    bits = jnp.take(x_bits, connections, axis=1)
    # MSB-first address formation
    powers = (2 ** jnp.arange(NB - 1, -1, -1)).astype(jnp.int32)  # [NB]
    addr = jnp.sum(bits * powers[None, None, :], axis=-1)          # [B, NEURONS]
    # RAM lookup: out[b, j] = memory[j, addr[b, j]]  (embedding-style gather)
    out = memory[jnp.arange(NEURONS)[None, :], addr]               # [B, NEURONS]
    return out

if __name__ == "__main__":
    import jax
    _d = setup_inputs()
    print(jax.jit(kernel)(*tuple(_d.values())))

</pallas_src>

<mosaic_0001>
#map = affine_map<(d0, d1) -> (0)>
module attributes {stable_mosaic.version = 14 : i64} {
  func.func @_ngram_kernel(%arg0: i32, %arg1: i32, %arg2: memref<294912xi32, #tpu.memory_space<hbm>>, %arg3: memref<72xi32, #tpu.memory_space<hbm>>, %arg4: memref<24576xf32, #tpu.memory_space<hbm>>, %arg5: memref<98304xf32, #tpu.memory_space<hbm>>, %arg6: memref<9216xi32, #tpu.memory_space<vmem>>, %arg7: memref<24576xf32, #tpu.memory_space<vmem>>, %arg8: memref<96xi32, #tpu.memory_space<vmem>>, %arg9: memref<3072xf32, #tpu.memory_space<vmem>>, %arg10: memref<!tpu.dma_semaphore, #tpu.memory_space<semaphore_mem>>) attributes {dimension_semantics = [#tpu.dimension_semantics<core_parallel>, #tpu.dimension_semantics<subcore_parallel>], iteration_bounds = array<i64: 2, 16>, scalar_prefetch = 0 : i64, scratch_operands = 5 : i64, tpu.core_type = #tpu.core_type<sc_vector_subcore>, window_params = [{transform_indices = #map}, {transform_indices = #map}, {transform_indices = #map}, {transform_indices = #map}]} {
    %mul3A = arith.constant 2 : i32
    %mul3A_0 = arith.muli %arg1, %mul3A : i32
    %add3A = arith.addi %mul3A_0, %arg0 : i32
    %mul3A_1 = arith.constant 512 : i32
    %mul3A_2 = arith.muli %add3A, %mul3A_1 : i32
    %mul3A_3 = arith.constant 18 : i32
    %mul3A_4 = arith.muli %add3A, %mul3A_3 : i32
    %mul3A_5 = arith.constant 512 : i32
    %mul3A_6 = arith.muli %mul3A_4, %mul3A_5 : i32
    %dma_start3A = tpu.memref_slice %arg2[%mul3A_6] : memref<294912xi32, #tpu.memory_space<hbm>> -> memref<9216xi32, #tpu.memory_space<hbm>>
    %dma_start3A_7 = tpu.memref_slice %arg2[%mul3A_6] : memref<294912xi32, #tpu.memory_space<hbm>> -> memref<9216xi32, #tpu.memory_space<hbm>>
    tpu.enqueue_dma source(%dma_start3A_7 : memref<9216xi32, #tpu.memory_space<hbm>>) target(%arg6 : memref<9216xi32, #tpu.memory_space<vmem>>) target_semaphore(%arg10 : memref<!tpu.dma_semaphore, #tpu.memory_space<semaphore_mem>>)
    tpu.enqueue_dma source(%arg4 : memref<24576xf32, #tpu.memory_space<hbm>>) target(%arg7 : memref<24576xf32, #tpu.memory_space<vmem>>) target_semaphore(%arg10 : memref<!tpu.dma_semaphore, #tpu.memory_space<semaphore_mem>>)
    %dma_start3A_8 = arith.constant 0 : i32
    %dma_start3A_9 = tpu.memref_slice %arg8[%dma_start3A_8] : memref<96xi32, #tpu.memory_space<vmem>> -> memref<72xi32, #tpu.memory_space<vmem>>
    %dma_start3A_10 = arith.constant 0 : i32
    %dma_start3A_11 = tpu.memref_slice %arg8[%dma_start3A_10] : memref<96xi32, #tpu.memory_space<vmem>> -> memref<72xi32, #tpu.memory_space<vmem>>
    tpu.enqueue_dma source(%arg3 : memref<72xi32, #tpu.memory_space<hbm>>) target(%dma_start3A_11 : memref<72xi32, #tpu.memory_space<vmem>>) target_semaphore(%arg10 : memref<!tpu.dma_semaphore, #tpu.memory_space<semaphore_mem>>)
    %dma_wait3A = tpu.memref_slice %arg2[%mul3A_6] : memref<294912xi32, #tpu.memory_space<hbm>> -> memref<9216xi32, #tpu.memory_space<hbm>>
    %dma_wait3A_12 = tpu.memref_slice %arg2[%mul3A_6] : memref<294912xi32, #tpu.memory_space<hbm>> -> memref<9216xi32, #tpu.memory_space<hbm>>
    tpu.wait_dma2 semaphore(%arg10 : memref<!tpu.dma_semaphore, #tpu.memory_space<semaphore_mem>>) src(%dma_wait3A_12 : memref<9216xi32, #tpu.memory_space<hbm>>) dst(%arg6 : memref<9216xi32, #tpu.memory_space<vmem>>)
    tpu.wait_dma2 semaphore(%arg10 : memref<!tpu.dma_semaphore, #tpu.memory_space<semaphore_mem>>) src(%arg4 : memref<24576xf32, #tpu.memory_space<hbm>>) dst(%arg7 : memref<24576xf32, #tpu.memory_space<vmem>>)
    %dma_wait3A_13 = arith.constant 0 : i32
    %dma_wait3A_14 = tpu.memref_slice %arg8[%dma_wait3A_13] : memref<96xi32, #tpu.memory_space<vmem>> -> memref<72xi32, #tpu.memory_space<vmem>>
    %dma_wait3A_15 = arith.constant 0 : i32
    %dma_wait3A_16 = tpu.memref_slice %arg8[%dma_wait3A_15] : memref<96xi32, #tpu.memory_space<vmem>> -> memref<72xi32, #tpu.memory_space<vmem>>
    tpu.wait_dma2 semaphore(%arg10 : memref<!tpu.dma_semaphore, #tpu.memory_space<semaphore_mem>>) src(%arg3 : memref<72xi32, #tpu.memory_space<hbm>>) dst(%dma_wait3A_16 : memref<72xi32, #tpu.memory_space<vmem>>)
    %get3A = arith.constant 0 : index
    %get3A_17 = tpu.vector_load %arg8[%get3A] {strides = array<i32>} : memref<96xi32, #tpu.memory_space<vmem>>, vector<16xi32>,
    %get3A_18 = arith.constant 12 : index
    %get3A_19 = tpu.vector_load %arg8[%get3A_18] {strides = array<i32>} : memref<96xi32, #tpu.memory_space<vmem>>, vector<16xi32>,
    %get3A_20 = arith.constant 24 : index
    %get3A_21 = tpu.vector_load %arg8[%get3A_20] {strides = array<i32>} : memref<96xi32, #tpu.memory_space<vmem>>, vector<16xi32>,
    %get3A_22 = arith.constant 36 : index
    %get3A_23 = tpu.vector_load %arg8[%get3A_22] {strides = array<i32>} : memref<96xi32, #tpu.memory_space<vmem>>, vector<16xi32>,
    %get3A_24 = arith.constant 48 : index
    %get3A_25 = tpu.vector_load %arg8[%get3A_24] {strides = array<i32>} : memref<96xi32, #tpu.memory_space<vmem>>, vector<16xi32>,
    %get3A_26 = arith.constant 60 : index
    %get3A_27 = tpu.vector_load %arg8[%get3A_26] {strides = array<i32>} : memref<96xi32, #tpu.memory_space<vmem>>, vector<16xi32>,
    %slice3A = vector.extract_strided_slice %get3A_17 {offsets = [0], sizes = [1], strides = [1]} : vector<16xi32> to vector<1xi32>
    %squeeze3A = vector.extract %slice3A[0] : i32 from vector<1xi32>
    %slice3A_28 = vector.extract_strided_slice %get3A_17 {offsets = [1], sizes = [1], strides = [1]} : vector<16xi32> to vector<1xi32>
    %squeeze3A_29 = vector.extract %slice3A_28[0] : i32 from vector<1xi32>
    %slice3A_30 = vector.extract_strided_slice %get3A_17 {offsets = [2], sizes = [1], strides = [1]} : vector<16xi32> to vector<1xi32>
    %squeeze3A_31 = vector.extract %slice3A_30[0] : i32 from vector<1xi32>
    %slice3A_32 = vector.extract_strided_slice %get3A_17 {offsets = [3], sizes = [1], strides = [1]} : vector<16xi32> to vector<1xi32>
    %squeeze3A_33 = vector.extract %slice3A_32[0] : i32 from vector<1xi32>
    %slice3A_34 = vector.extract_strided_slice %get3A_17 {offsets = [4], sizes = [1], strides = [1]} : vector<16xi32> to vector<1xi32>
    %squeeze3A_35 = vector.extract %slice3A_34[0] : i32 from vector<1xi32>
    %slice3A_36 = vector.extract_strided_slice %get3A_17 {offsets = [5], sizes = [1], strides = [1]} : vector<16xi32> to vector<1xi32>
    %squeeze3A_37 = vector.extract %slice3A_36[0] : i32 from vector<1xi32>
    %slice3A_38 = vector.extract_strided_slice %get3A_17 {offsets = [6], sizes = [1], strides = [1]} : vector<16xi32> to vector<1xi32>
    %squeeze3A_39 = vector.extract %slice3A_38[0] : i32 from vector<1xi32>
    %slice3A_40 = vector.extract_strided_slice %get3A_17 {offsets = [7], sizes = [1], strides = [1]} : vector<16xi32> to vector<1xi32>
    %squeeze3A_41 = vector.extract %slice3A_40[0] : i32 from vector<1xi32>
    %slice3A_42 = vector.extract_strided_slice %get3A_17 {offsets = [8], sizes = [1], strides = [1]} : vector<16xi32> to vector<1xi32>
    %squeeze3A_43 = vector.extract %slice3A_42[0] : i32 from vector<1xi32>
    %slice3A_44 = vector.extract_strided_slice %get3A_17 {offsets = [9], sizes = [1], strides = [1]} : vector<16xi32> to vector<1xi32>
    %squeeze3A_45 = vector.extract %slice3A_44[0] : i32 from vector<1xi32>
    %slice3A_46 = vector.extract_strided_slice %get3A_17 {offsets = [10], sizes = [1], strides = [1]} : vector<16xi32> to vector<1xi32>
    %squeeze3A_47 = vector.extract %slice3A_46[0] : i32 from vector<1xi32>
    %slice3A_48 = vector.extract_strided_slice %get3A_17 {offsets = [11], sizes = [1], strides = [1]} : vector<16xi32> to vector<1xi32>
    %squeeze3A_49 = vector.extract %slice3A_48[0] : i32 from vector<1xi32>
    %slice3A_50 = vector.extract_strided_slice %get3A_19 {offsets = [0], sizes = [1], strides = [1]} : vector<16xi32> to vector<1xi32>
    %squeeze3A_51 = vector.extract %slice3A_50[0] : i32 from vector<1xi32>
    %slice3A_52 = vector.extract_strided_slice %get3A_19 {offsets = [1], sizes = [1], strides = [1]} : vector<16xi32> to vector<1xi32>
    %squeeze3A_53 = vector.extract %slice3A_52[0] : i32 from vector<1xi32>
    %slice3A_54 = vector.extract_strided_slice %get3A_19 {offsets = [2], sizes = [1], strides = [1]} : vector<16xi32> to vector<1xi32>
    %squeeze3A_55 = vector.extract %slice3A_54[0] : i32 from vector<1xi32>
    %slice3A_56 = vector.extract_strided_slice %get3A_19 {offsets = [3], sizes = [1], strides = [1]} : vector<16xi32> to vector<1xi32>
    %squeeze3A_57 = vector.extract %slice3A_56[0] : i32 from vector<1xi32>
    %slice3A_58 = vector.extract_strided_slice %get3A_19 {offsets = [4], sizes = [1], strides = [1]} : vector<16xi32> to vector<1xi32>
    %squeeze3A_59 = vector.extract %slice3A_58[0] : i32 from vector<1xi32>
    %slice3A_60 = vector.extract_strided_slice %get3A_19 {offsets = [5], sizes = [1], strides = [1]} : vector<16xi32> to vector<1xi32>
    %squeeze3A_61 = vector.extract %slice3A_60[0] : i32 from vector<1xi32>
    %slice3A_62 = vector.extract_strided_slice %get3A_19 {offsets = [6], sizes = [1], strides = [1]} : vector<16xi32> to vector<1xi32>
    %squeeze3A_63 = vector.extract %slice3A_62[0] : i32 from vector<1xi32>
    %slice3A_64 = vector.extract_strided_slice %get3A_19 {offsets = [7], sizes = [1], strides = [1]} : vector<16xi32> to vector<1xi32>
    %squeeze3A_65 = vector.extract %slice3A_64[0] : i32 from vector<1xi32>
    %slice3A_66 = vector.extract_strided_slice %get3A_19 {offsets = [8], sizes = [1], strides = [1]} : vector<16xi32> to vector<1xi32>
    %squeeze3A_67 = vector.extract %slice3A_66[0] : i32 from vector<1xi32>
    %slice3A_68 = vector.extract_strided_slice %get3A_19 {offsets = [9], sizes = [1], strides = [1]} : vector<16xi32> to vector<1xi32>
    %squeeze3A_69 = vector.extract %slice3A_68[0] : i32 from vector<1xi32>
    %slice3A_70 = vector.extract_strided_slice %get3A_19 {offsets = [10], sizes = [1], strides = [1]} : vector<16xi32> to vector<1xi32>
    %squeeze3A_71 = vector.extract %slice3A_70[0] : i32 from vector<1xi32>
    %slice3A_72 = vector.extract_strided_slice %get3A_19 {offsets = [11], sizes = [1], strides = [1]} : vector<16xi32> to vector<1xi32>
    %squeeze3A_73 = vector.extract %slice3A_72[0] : i32 from vector<1xi32>
    %slice3A_74 = vector.extract_strided_slice %get3A_21 {offsets = [0], sizes = [1], strides = [1]} : vector<16xi32> to vector<1xi32>
    %squeeze3A_75 = vector.extract %slice3A_74[0] : i32 from vector<1xi32>
    %slice3A_76 = vector.extract_strided_slice %get3A_21 {offsets = [1], sizes = [1], strides = [1]} : vector<16xi32> to vector<1xi32>
    %squeeze3A_77 = vector.extract %slice3A_76[0] : i32 from vector<1xi32>
    %slice3A_78 = vector.extract_strided_slice %get3A_21 {offsets = [2], sizes = [1], strides = [1]} : vector<16xi32> to vector<1xi32>
    %squeeze3A_79 = vector.extract %slice3A_78[0] : i32 from vector<1xi32>
    %slice3A_80 = vector.extract_strided_slice %get3A_21 {offsets = [3], sizes = [1], strides = [1]} : vector<16xi32> to vector<1xi32>
    %squeeze3A_81 = vector.extract %slice3A_80[0] : i32 from vector<1xi32>
    %slice3A_82 = vector.extract_strided_slice %get3A_21 {offsets = [4], sizes = [1], strides = [1]} : vector<16xi32> to vector<1xi32>
    %squeeze3A_83 = vector.extract %slice3A_82[0] : i32 from vector<1xi32>
    %slice3A_84 = vector.extract_strided_slice %get3A_21 {offsets = [5], sizes = [1], strides = [1]} : vector<16xi32> to vector<1xi32>
    %squeeze3A_85 = vector.extract %slice3A_84[0] : i32 from vector<1xi32>
    %slice3A_86 = vector.extract_strided_slice %get3A_21 {offsets = [6], sizes = [1], strides = [1]} : vector<16xi32> to vector<1xi32>
    %squeeze3A_87 = vector.extract %slice3A_86[0] : i32 from vector<1xi32>
    %slice3A_88 = vector.extract_strided_slice %get3A_21 {offsets = [7], sizes = [1], strides = [1]} : vector<16xi32> to vector<1xi32>
    %squeeze3A_89 = vector.extract %slice3A_88[0] : i32 from vector<1xi32>
    %slice3A_90 = vector.extract_strided_slice %get3A_21 {offsets = [8], sizes = [1], strides = [1]} : vector<16xi32> to vector<1xi32>
    %squeeze3A_91 = vector.extract %slice3A_90[0] : i32 from vector<1xi32>
    %slice3A_92 = vector.extract_strided_slice %get3A_21 {offsets = [9], sizes = [1], strides = [1]} : vector<16xi32> to vector<1xi32>
    %squeeze3A_93 = vector.extract %slice3A_92[0] : i32 from vector<1xi32>
    %slice3A_94 = vector.extract_strided_slice %get3A_21 {offsets = [10], sizes = [1], strides = [1]} : vector<16xi32> to vector<1xi32>
    %squeeze3A_95 = vector.extract %slice3A_94[0] : i32 from vector<1xi32>
    %slice3A_96 = vector.extract_strided_slice %get3A_21 {offsets = [11], sizes = [1], strides = [1]} : vector<16xi32> to vector<1xi32>
    %squeeze3A_97 = vector.extract %slice3A_96[0] : i32 from vector<1xi32>
    %slice3A_98 = vector.extract_strided_slice %get3A_23 {offsets = [0], sizes = [1], strides = [1]} : vector<16xi32> to vector<1xi32>
    %squeeze3A_99 = vector.extract %slice3A_98[0] : i32 from vector<1xi32>
    %slice3A_100 = vector.extract_strided_slice %get3A_23 {offsets = [1], sizes = [1], strides = [1]} : vector<16xi32> to vector<1xi32>
    %squeeze3A_101 = vector.extract %slice3A_100[0] : i32 from vector<1xi32>
    %slice3A_102 = vector.extract_strided_slice %get3A_23 {offsets = [2], sizes = [1], strides = [1]} : vector<16xi32> to vector<1xi32>
    %squeeze3A_103 = vector.extract %slice3A_102[0] : i32 from vector<1xi32>
    %slice3A_104 = vector.extract_strided_slice %get3A_23 {offsets = [3], sizes = [1], strides = [1]} : vector<16xi32> to vector<1xi32>
    %squeeze3A_105 = vector.extract %slice3A_104[0] : i32 from vector<1xi32>
    %slice3A_106 = vector.extract_strided_slice %get3A_23 {offsets = [4], sizes = [1], strides = [1]} : vector<16xi32> to vector<1xi32>
    %squeeze3A_107 = vector.extract %slice3A_106[0] : i32 from vector<1xi32>
    %slice3A_108 = vector.extract_strided_slice %get3A_23 {offsets = [5], sizes = [1], strides = [1]} : vector<16xi32> to vector<1xi32>
    %squeeze3A_109 = vector.extract %slice3A_108[0] : i32 from vector<1xi32>
    %slice3A_110 = vector.extract_strided_slice %get3A_23 {offsets = [6], sizes = [1], strides = [1]} : vector<16xi32> to vector<1xi32>
    %squeeze3A_111 = vector.extract %slice3A_110[0] : i32 from vector<1xi32>
    %slice3A_112 = vector.extract_strided_slice %get3A_23 {offsets = [7], sizes = [1], strides = [1]} : vector<16xi32> to vector<1xi32>
    %squeeze3A_113 = vector.extract %slice3A_112[0] : i32 from vector<1xi32>
    %slice3A_114 = vector.extract_strided_slice %get3A_23 {offsets = [8], sizes = [1], strides = [1]} : vector<16xi32> to vector<1xi32>
    %squeeze3A_115 = vector.extract %slice3A_114[0] : i32 from vector<1xi32>
    %slice3A_116 = vector.extract_strided_slice %get3A_23 {offsets = [9], sizes = [1], strides = [1]} : vector<16xi32> to vector<1xi32>
    %squeeze3A_117 = vector.extract %slice3A_116[0] : i32 from vector<1xi32>
    %slice3A_118 = vector.extract_strided_slice %get3A_23 {offsets = [10], sizes = [1], strides = [1]} : vector<16xi32> to vector<1xi32>
    %squeeze3A_119 = vector.extract %slice3A_118[0] : i32 from vector<1xi32>
    %slice3A_120 = vector.extract_strided_slice %get3A_23 {offsets = [11], sizes = [1], strides = [1]} : vector<16xi32> to vector<1xi32>
    %squeeze3A_121 = vector.extract %slice3A_120[0] : i32 from vector<1xi32>
    %slice3A_122 = vector.extract_strided_slice %get3A_25 {offsets = [0], sizes = [1], strides = [1]} : vector<16xi32> to vector<1xi32>
    %squeeze3A_123 = vector.extract %slice3A_122[0] : i32 from vector<1xi32>
    %slice3A_124 = vector.extract_strided_slice %get3A_25 {offsets = [1], sizes = [1], strides = [1]} : vector<16xi32> to vector<1xi32>
    %squeeze3A_125 = vector.extract %slice3A_124[0] : i32 from vector<1xi32>
    %slice3A_126 = vector.extract_strided_slice %get3A_25 {offsets = [2], sizes = [1], strides = [1]} : vector<16xi32> to vector<1xi32>
    %squeeze3A_127 = vector.extract %slice3A_126[0] : i32 from vector<1xi32>
    %slice3A_128 = vector.extract_strided_slice %get3A_25 {offsets = [3], sizes = [1], strides = [1]} : vector<16xi32> to vector<1xi32>
    %squeeze3A_129 = vector.extract %slice3A_128[0] : i32 from vector<1xi32>
    %slice3A_130 = vector.extract_strided_slice %get3A_25 {offsets = [4], sizes = [1], strides = [1]} : vector<16xi32> to vector<1xi32>
    %squeeze3A_131 = vector.extract %slice3A_130[0] : i32 from vector<1xi32>
    %slice3A_132 = vector.extract_strided_slice %get3A_25 {offsets = [5], sizes = [1], strides = [1]} : vector<16xi32> to vector<1xi32>
    %squeeze3A_133 = vector.extract %slice3A_132[0] : i32 from vector<1xi32>
    %slice3A_134 = vector.extract_strided_slice %get3A_25 {offsets = [6], sizes = [1], strides = [1]} : vector<16xi32> to vector<1xi32>
    %squeeze3A_135 = vector.extract %slice3A_134[0] : i32 from vector<1xi32>
    %slice3A_136 = vector.extract_strided_slice %get3A_25 {offsets = [7], sizes = [1], strides = [1]} : vector<16xi32> to vector<1xi32>
    %squeeze3A_137 = vector.extract %slice3A_136[0] : i32 from vector<1xi32>
    %slice3A_138 = vector.extract_strided_slice %get3A_25 {offsets = [8], sizes = [1], strides = [1]} : vector<16xi32> to vector<1xi32>
    %squeeze3A_139 = vector.extract %slice3A_138[0] : i32 from vector<1xi32>
    %slice3A_140 = vector.extract_strided_slice %get3A_25 {offsets = [9], sizes = [1], strides = [1]} : vector<16xi32> to vector<1xi32>
    %squeeze3A_141 = vector.extract %slice3A_140[0] : i32 from vector<1xi32>
    %slice3A_142 = vector.extract_strided_slice %get3A_25 {offsets = [10], sizes = [1], strides = [1]} : vector<16xi32> to vector<1xi32>
    %squeeze3A_143 = vector.extract %slice3A_142[0] : i32 from vector<1xi32>
    %slice3A_144 = vector.extract_strided_slice %get3A_25 {offsets = [11], sizes = [1], strides = [1]} : vector<16xi32> to vector<1xi32>
    %squeeze3A_145 = vector.extract %slice3A_144[0] : i32 from vector<1xi32>
    %slice3A_146 = vector.extract_strided_slice %get3A_27 {offsets = [0], sizes = [1], strides = [1]} : vector<16xi32> to vector<1xi32>
    %squeeze3A_147 = vector.extract %slice3A_146[0] : i32 from vector<1xi32>
    %slice3A_148 = vector.extract_strided_slice %get3A_27 {offsets = [1], sizes = [1], strides = [1]} : vector<16xi32> to vector<1xi32>
    %squeeze3A_149 = vector.extract %slice3A_148[0] : i32 from vector<1xi32>
    %slice3A_150 = vector.extract_strided_slice %get3A_27 {offsets = [2], sizes = [1], strides = [1]} : vector<16xi32> to vector<1xi32>
    %squeeze3A_151 = vector.extract %slice3A_150[0] : i32 from vector<1xi32>
    %slice3A_152 = vector.extract_strided_slice %get3A_27 {offsets = [3], sizes = [1], strides = [1]} : vector<16xi32> to vector<1xi32>
    %squeeze3A_153 = vector.extract %slice3A_152[0] : i32 from vector<1xi32>
    %slice3A_154 = vector.extract_strided_slice %get3A_27 {offsets = [4], sizes = [1], strides = [1]} : vector<16xi32> to vector<1xi32>
    %squeeze3A_155 = vector.extract %slice3A_154[0] : i32 from vector<1xi32>
    %slice3A_156 = vector.extract_strided_slice %get3A_27 {offsets = [5], sizes = [1], strides = [1]} : vector<16xi32> to vector<1xi32>
    %squeeze3A_157 = vector.extract %slice3A_156[0] : i32 from vector<1xi32>
    %slice3A_158 = vector.extract_strided_slice %get3A_27 {offsets = [6], sizes = [1], strides = [1]} : vector<16xi32> to vector<1xi32>
    %squeeze3A_159 = vector.extract %slice3A_158[0] : i32 from vector<1xi32>
    %slice3A_160 = vector.extract_strided_slice %get3A_27 {offsets = [7], sizes = [1], strides = [1]} : vector<16xi32> to vector<1xi32>
    %squeeze3A_161 = vector.extract %slice3A_160[0] : i32 from vector<1xi32>
    %slice3A_162 = vector.extract_strided_slice %get3A_27 {offsets = [8], sizes = [1], strides = [1]} : vector<16xi32> to vector<1xi32>
    %squeeze3A_163 = vector.extract %slice3A_162[0] : i32 from vector<1xi32>
    %slice3A_164 = vector.extract_strided_slice %get3A_27 {offsets = [9], sizes = [1], strides = [1]} : vector<16xi32> to vector<1xi32>
    %squeeze3A_165 = vector.extract %slice3A_164[0] : i32 from vector<1xi32>
    %slice3A_166 = vector.extract_strided_slice %get3A_27 {offsets = [10], sizes = [1], strides = [1]} : vector<16xi32> to vector<1xi32>
    %squeeze3A_167 = vector.extract %slice3A_166[0] : i32 from vector<1xi32>
    %slice3A_168 = vector.extract_strided_slice %get3A_27 {offsets = [11], sizes = [1], strides = [1]} : vector<16xi32> to vector<1xi32>
    %squeeze3A_169 = vector.extract %slice3A_168[0] : i32 from vector<1xi32>
    %iota3A = tpu.iota {dimensions = array<i32: 0>} : vector<16xi32>
    %scan3A = arith.constant 0 : i32
    %scan3A_170 = arith.constant 0 : i32
    %scan3A_171 = arith.constant 32 : i32
    %scan3A_172 = arith.addi %scan3A_170, %scan3A_171 : i32
    %scan3A_173 = arith.constant 1 : i32
    scf.for %scan3A_177 = %scan3A_170 to %scan3A_172 step %scan3A_173  : i32 {
      %mul3A_178 = arith.constant 16 : i32
      %mul3A_179 = arith.muli %scan3A_177, %mul3A_178 : i32
      %broadcast_in_dim3A = arith.constant 0 : i32
      %broadcast_in_dim3A_180 = vector.broadcast %broadcast_in_dim3A : i32 to vector<16xi32>
      %mul3A_181 = arith.constant 512 : i32
      %mul3A_182 = arith.muli %squeeze3A, %mul3A_181 : i32
      %add3A_183 = arith.addi %mul3A_182, %mul3A_179 : i32
      %get3A_184 = arith.index_cast %add3A_183 : i32 to index
      %get3A_185 = tpu.vector_load %arg6[%get3A_184] {strides = array<i32>} : memref<9216xi32, #tpu.memory_space<vmem>>, vector<16xi32>,
      %shift_left3A = arith.constant 11 : i32
      %shift_left3A_186 = vector.broadcast %shift_left3A : i32 to vector<16xi32>
      %shift_left3A_187 = arith.shli %get3A_185, %shift_left3A_186 : vector<16xi32>
      %add3A_188 = arith.addi %broadcast_in_dim3A_180, %shift_left3A_187 : vector<16xi32>
      %mul3A_189 = arith.constant 512 : i32
      %mul3A_190 = arith.muli %squeeze3A_29, %mul3A_189 : i32
      %add3A_191 = arith.addi %mul3A_190, %mul3A_179 : i32
      %get3A_192 = arith.index_cast %add3A_191 : i32 to index
      %get3A_193 = tpu.vector_load %arg6[%get3A_192] {strides = array<i32>} : memref<9216xi32, #tpu.memory_space<vmem>>, vector<16xi32>,
      %shift_left3A_194 = arith.constant 10 : i32
      %shift_left3A_195 = vector.broadcast %shift_left3A_194 : i32 to vector<16xi32>
      %shift_left3A_196 = arith.shli %get3A_193, %shift_left3A_195 : vector<16xi32>
      %add3A_197 = arith.addi %add3A_188, %shift_left3A_196 : vector<16xi32>
      %mul3A_198 = arith.constant 512 : i32
      %mul3A_199 = arith.muli %squeeze3A_31, %mul3A_198 : i32
      %add3A_200 = arith.addi %mul3A_199, %mul3A_179 : i32
      %get3A_201 = arith.index_cast %add3A_200 : i32 to index
      %get3A_202 = tpu.vector_load %arg6[%get3A_201] {strides = array<i32>} : memref<9216xi32, #tpu.memory_space<vmem>>, vector<16xi32>,
      %shift_left3A_203 = arith.constant 9 : i32
      %shift_left3A_204 = vector.broadcast %shift_left3A_203 : i32 to vector<16xi32>
      %shift_left3A_205 = arith.shli %get3A_202, %shift_left3A_204 : vector<16xi32>
      %add3A_206 = arith.addi %add3A_197, %shift_left3A_205 : vector<16xi32>
      %mul3A_207 = arith.constant 512 : i32
      %mul3A_208 = arith.muli %squeeze3A_33, %mul3A_207 : i32
      %add3A_209 = arith.addi %mul3A_208, %mul3A_179 : i32
      %get3A_210 = arith.index_cast %add3A_209 : i32 to index
      %get3A_211 = tpu.vector_load %arg6[%get3A_210] {strides = array<i32>} : memref<9216xi32, #tpu.memory_space<vmem>>, vector<16xi32>,
      %shift_left3A_212 = arith.constant 8 : i32
      %shift_left3A_213 = vector.broadcast %shift_left3A_212 : i32 to vector<16xi32>
      %shift_left3A_214 = arith.shli %get3A_211, %shift_left3A_213 : vector<16xi32>
      %add3A_215 = arith.addi %add3A_206, %shift_left3A_214 : vector<16xi32>
      %mul3A_216 = arith.constant 512 : i32
      %mul3A_217 = arith.muli %squeeze3A_35, %mul3A_216 : i32
      %add3A_218 = arith.addi %mul3A_217, %mul3A_179 : i32
      %get3A_219 = arith.index_cast %add3A_218 : i32 to index
      %get3A_220 = tpu.vector_load %arg6[%get3A_219] {strides = array<i32>} : memref<9216xi32, #tpu.memory_space<vmem>>, vector<16xi32>,
      %shift_left3A_221 = arith.constant 7 : i32
      %shift_left3A_222 = vector.broadcast %shift_left3A_221 : i32 to vector<16xi32>
      %shift_left3A_223 = arith.shli %get3A_220, %shift_left3A_222 : vector<16xi32>
      %add3A_224 = arith.addi %add3A_215, %shift_left3A_223 : vector<16xi32>
      %mul3A_225 = arith.constant 512 : i32
      %mul3A_226 = arith.muli %squeeze3A_37, %mul3A_225 : i32
      %add3A_227 = arith.addi %mul3A_226, %mul3A_179 : i32
      %get3A_228 = arith.index_cast %add3A_227 : i32 to index
      %get3A_229 = tpu.vector_load %arg6[%get3A_228] {strides = array<i32>} : memref<9216xi32, #tpu.memory_space<vmem>>, vector<16xi32>,
      %shift_left3A_230 = arith.constant 6 : i32
      %shift_left3A_231 = vector.broadcast %shift_left3A_230 : i32 to vector<16xi32>
      %shift_left3A_232 = arith.shli %get3A_229, %shift_left3A_231 : vector<16xi32>
      %add3A_233 = arith.addi %add3A_224, %shift_left3A_232 : vector<16xi32>
      %mul3A_234 = arith.constant 512 : i32
      %mul3A_235 = arith.muli %squeeze3A_39, %mul3A_234 : i32
      %add3A_236 = arith.addi %mul3A_235, %mul3A_179 : i32
      %get3A_237 = arith.index_cast %add3A_236 : i32 to index
      %get3A_238 = tpu.vector_load %arg6[%get3A_237] {strides = array<i32>} : memref<9216xi32, #tpu.memory_space<vmem>>, vector<16xi32>,
      %shift_left3A_239 = arith.constant 5 : i32
      %shift_left3A_240 = vector.broadcast %shift_left3A_239 : i32 to vector<16xi32>
      %shift_left3A_241 = arith.shli %get3A_238, %shift_left3A_240 : vector<16xi32>
      %add3A_242 = arith.addi %add3A_233, %shift_left3A_241 : vector<16xi32>
      %mul3A_243 = arith.constant 512 : i32
      %mul3A_244 = arith.muli %squeeze3A_41, %mul3A_243 : i32
      %add3A_245 = arith.addi %mul3A_244, %mul3A_179 : i32
      %get3A_246 = arith.index_cast %add3A_245 : i32 to index
      %get3A_247 = tpu.vector_load %arg6[%get3A_246] {strides = array<i32>} : memref<9216xi32, #tpu.memory_space<vmem>>, vector<16xi32>,
      %shift_left3A_248 = arith.constant 4 : i32
      %shift_left3A_249 = vector.broadcast %shift_left3A_248 : i32 to vector<16xi32>
      %shift_left3A_250 = arith.shli %get3A_247, %shift_left3A_249 : vector<16xi32>
      %add3A_251 = arith.addi %add3A_242, %shift_left3A_250 : vector<16xi32>
      %mul3A_252 = arith.constant 512 : i32
      %mul3A_253 = arith.muli %squeeze3A_43, %mul3A_252 : i32
      %add3A_254 = arith.addi %mul3A_253, %mul3A_179 : i32
      %get3A_255 = arith.index_cast %add3A_254 : i32 to index
      %get3A_256 = tpu.vector_load %arg6[%get3A_255] {strides = array<i32>} : memref<9216xi32, #tpu.memory_space<vmem>>, vector<16xi32>,
      %shift_left3A_257 = arith.constant 3 : i32
      %shift_left3A_258 = vector.broadcast %shift_left3A_257 : i32 to vector<16xi32>
      %shift_left3A_259 = arith.shli %get3A_256, %shift_left3A_258 : vector<16xi32>
      %add3A_260 = arith.addi %add3A_251, %shift_left3A_259 : vector<16xi32>
      %mul3A_261 = arith.constant 512 : i32
      %mul3A_262 = arith.muli %squeeze3A_45, %mul3A_261 : i32
      %add3A_263 = arith.addi %mul3A_262, %mul3A_179 : i32
      %get3A_264 = arith.index_cast %add3A_263 : i32 to index
      %get3A_265 = tpu.vector_load %arg6[%get3A_264] {strides = array<i32>} : memref<9216xi32, #tpu.memory_space<vmem>>, vector<16xi32>,
      %shift_left3A_266 = arith.constant 2 : i32
      %shift_left3A_267 = vector.broadcast %shift_left3A_266 : i32 to vector<16xi32>
      %shift_left3A_268 = arith.shli %get3A_265, %shift_left3A_267 : vector<16xi32>
      %add3A_269 = arith.addi %add3A_260, %shift_left3A_268 : vector<16xi32>
      %mul3A_270 = arith.constant 512 : i32
      %mul3A_271 = arith.muli %squeeze3A_47, %mul3A_270 : i32
      %add3A_272 = arith.addi %mul3A_271, %mul3A_179 : i32
      %get3A_273 = arith.index_cast %add3A_272 : i32 to index
      %get3A_274 = tpu.vector_load %arg6[%get3A_273] {strides = array<i32>} : memref<9216xi32, #tpu.memory_space<vmem>>, vector<16xi32>,
      %shift_left3A_275 = arith.constant 1 : i32
      %shift_left3A_276 = vector.broadcast %shift_left3A_275 : i32 to vector<16xi32>
      %shift_left3A_277 = arith.shli %get3A_274, %shift_left3A_276 : vector<16xi32>
      %add3A_278 = arith.addi %add3A_269, %shift_left3A_277 : vector<16xi32>
      %mul3A_279 = arith.constant 512 : i32
      %mul3A_280 = arith.muli %squeeze3A_49, %mul3A_279 : i32
      %add3A_281 = arith.addi %mul3A_280, %mul3A_179 : i32
      %get3A_282 = arith.index_cast %add3A_281 : i32 to index
      %get3A_283 = tpu.vector_load %arg6[%get3A_282] {strides = array<i32>} : memref<9216xi32, #tpu.memory_space<vmem>>, vector<16xi32>,
      %shift_left3A_284 = arith.constant 0 : i32
      %shift_left3A_285 = vector.broadcast %shift_left3A_284 : i32 to vector<16xi32>
      %shift_left3A_286 = arith.shli %get3A_283, %shift_left3A_285 : vector<16xi32>
      %add3A_287 = arith.addi %add3A_278, %shift_left3A_286 : vector<16xi32>
      %gather3A = tpu.vector_load_idx %arg7[%add3A_287] : memref<24576xf32, #tpu.memory_space<vmem>>[vector<16xi32>], vector<16xf32>,
      %add3A_288 = vector.broadcast %mul3A_179 : i32 to vector<16xi32>
      %add3A_289 = arith.addi %add3A_288, %iota3A : vector<16xi32>
      %mul3A_290 = arith.constant 6 : i32
      %mul3A_291 = vector.broadcast %mul3A_290 : i32 to vector<16xi32>
      %mul3A_292 = arith.muli %add3A_289, %mul3A_291 : vector<16xi32>
      %add3A_293 = arith.constant 0 : i32
      %add3A_294 = vector.broadcast %add3A_293 : i32 to vector<16xi32>
      %add3A_295 = arith.addi %mul3A_292, %add3A_294 : vector<16xi32>
      tpu.vector_store_idx %arg9[%add3A_295], %gather3A : memref<3072xf32, #tpu.memory_space<vmem>>[vector<16xi32>], vector<16xf32>,
      %broadcast_in_dim3A_296 = arith.constant 4096 : i32
      %broadcast_in_dim3A_297 = vector.broadcast %broadcast_in_dim3A_296 : i32 to vector<16xi32>
      %mul3A_298 = arith.constant 512 : i32
      %mul3A_299 = arith.muli %squeeze3A_51, %mul3A_298 : i32
      %add3A_300 = arith.addi %mul3A_299, %mul3A_179 : i32
      %get3A_301 = arith.index_cast %add3A_300 : i32 to index
      %get3A_302 = tpu.vector_load %arg6[%get3A_301] {strides = array<i32>} : memref<9216xi32, #tpu.memory_space<vmem>>, vector<16xi32>,
      %shift_left3A_303 = arith.constant 11 : i32
      %shift_left3A_304 = vector.broadcast %shift_left3A_303 : i32 to vector<16xi32>
      %shift_left3A_305 = arith.shli %get3A_302, %shift_left3A_304 : vector<16xi32>
      %add3A_306 = arith.addi %broadcast_in_dim3A_297, %shift_left3A_305 : vector<16xi32>
      %mul3A_307 = arith.constant 512 : i32
      %mul3A_308 = arith.muli %squeeze3A_53, %mul3A_307 : i32
      %add3A_309 = arith.addi %mul3A_308, %mul3A_179 : i32
      %get3A_310 = arith.index_cast %add3A_309 : i32 to index
      %get3A_311 = tpu.vector_load %arg6[%get3A_310] {strides = array<i32>} : memref<9216xi32, #tpu.memory_space<vmem>>, vector<16xi32>,
      %shift_left3A_312 = arith.constant 10 : i32
      %shift_left3A_313 = vector.broadcast %shift_left3A_312 : i32 to vector<16xi32>
      %shift_left3A_314 = arith.shli %get3A_311, %shift_left3A_313 : vector<16xi32>
      %add3A_315 = arith.addi %add3A_306, %shift_left3A_314 : vector<16xi32>
      %mul3A_316 = arith.constant 512 : i32
      %mul3A_317 = arith.muli %squeeze3A_55, %mul3A_316 : i32
      %add3A_318 = arith.addi %mul3A_317, %mul3A_179 : i32
      %get3A_319 = arith.index_cast %add3A_318 : i32 to index
      %get3A_320 = tpu.vector_load %arg6[%get3A_319] {strides = array<i32>} : memref<9216xi32, #tpu.memory_space<vmem>>, vector<16xi32>,
      %shift_left3A_321 = arith.constant 9 : i32
      %shift_left3A_322 = vector.broadcast %shift_left3A_321 : i32 to vector<16xi32>
      %shift_left3A_323 = arith.shli %get3A_320, %shift_left3A_322 : vector<16xi32>
      %add3A_324 = arith.addi %add3A_315, %shift_left3A_323 : vector<16xi32>
      %mul3A_325 = arith.constant 512 : i32
      %mul3A_326 = arith.muli %squeeze3A_57, %mul3A_325 : i32
      %add3A_327 = arith.addi %mul3A_326, %mul3A_179 : i32
      %get3A_328 = arith.index_cast %add3A_327 : i32 to index
      %get3A_329 = tpu.vector_load %arg6[%get3A_328] {strides = array<i32>} : memref<9216xi32, #tpu.memory_space<vmem>>, vector<16xi32>,
      %shift_left3A_330 = arith.constant 8 : i32
      %shift_left3A_331 = vector.broadcast %shift_left3A_330 : i32 to vector<16xi32>
      %shift_left3A_332 = arith.shli %get3A_329, %shift_left3A_331 : vector<16xi32>
      %add3A_333 = arith.addi %add3A_324, %shift_left3A_332 : vector<16xi32>
      %mul3A_334 = arith.constant 512 : i32
      %mul3A_335 = arith.muli %squeeze3A_59, %mul3A_334 : i32
      %add3A_336 = arith.addi %mul3A_335, %mul3A_179 : i32
      %get3A_337 = arith.index_cast %add3A_336 : i32 to index
      %get3A_338 = tpu.vector_load %arg6[%get3A_337] {strides = array<i32>} : memref<9216xi32, #tpu.memory_space<vmem>>, vector<16xi32>,
      %shift_left3A_339 = arith.constant 7 : i32
      %shift_left3A_340 = vector.broadcast %shift_left3A_339 : i32 to vector<16xi32>
      %shift_left3A_341 = arith.shli %get3A_338, %shift_left3A_340 : vector<16xi32>
      %add3A_342 = arith.addi %add3A_333, %shift_left3A_341 : vector<16xi32>
      %mul3A_343 = arith.constant 512 : i32
      %mul3A_344 = arith.muli %squeeze3A_61, %mul3A_343 : i32
      %add3A_345 = arith.addi %mul3A_344, %mul3A_179 : i32
      %get3A_346 = arith.index_cast %add3A_345 : i32 to index
      %get3A_347 = tpu.vector_load %arg6[%get3A_346] {strides = array<i32>} : memref<9216xi32, #tpu.memory_space<vmem>>, vector<16xi32>,
      %shift_left3A_348 = arith.constant 6 : i32
      %shift_left3A_349 = vector.broadcast %shift_left3A_348 : i32 to vector<16xi32>
      %shift_left3A_350 = arith.shli %get3A_347, %shift_left3A_349 : vector<16xi32>
      %add3A_351 = arith.addi %add3A_342, %shift_left3A_350 : vector<16xi32>
      %mul3A_352 = arith.constant 512 : i32
      %mul3A_353 = arith.muli %squeeze3A_63, %mul3A_352 : i32
      %add3A_354 = arith.addi %mul3A_353, %mul3A_179 : i32
      %get3A_355 = arith.index_cast %add3A_354 : i32 to index
      %get3A_356 = tpu.vector_load %arg6[%get3A_355] {strides = array<i32>} : memref<9216xi32, #tpu.memory_space<vmem>>, vector<16xi32>,
      %shift_left3A_357 = arith.constant 5 : i32
      %shift_left3A_358 = vector.broadcast %shift_left3A_357 : i32 to vector<16xi32>
      %shift_left3A_359 = arith.shli %get3A_356, %shift_left3A_358 : vector<16xi32>
      %add3A_360 = arith.addi %add3A_351, %shift_left3A_359 : vector<16xi32>
      %mul3A_361 = arith.constant 512 : i32
      %mul3A_362 = arith.muli %squeeze3A_65, %mul3A_361 : i32
      %add3A_363 = arith.addi %mul3A_362, %mul3A_179 : i32
      %get3A_364 = arith.index_cast %add3A_363 : i32 to index
      %get3A_365 = tpu.vector_load %arg6[%get3A_364] {strides = array<i32>} : memref<9216xi32, #tpu.memory_space<vmem>>, vector<16xi32>,
      %shift_left3A_366 = arith.constant 4 : i32
      %shift_left3A_367 = vector.broadcast %shift_left3A_366 : i32 to vector<16xi32>
      %shift_left3A_368 = arith.shli %get3A_365, %shift_left3A_367 : vector<16xi32>
      %add3A_369 = arith.addi %add3A_360, %shift_left3A_368 : vector<16xi32>
      %mul3A_370 = arith.constant 512 : i32
      %mul3A_371 = arith.muli %squeeze3A_67, %mul3A_370 : i32
      %add3A_372 = arith.addi %mul3A_371, %mul3A_179 : i32
      %get3A_373 = arith.index_cast %add3A_372 : i32 to index
      %get3A_374 = tpu.vector_load %arg6[%get3A_373] {strides = array<i32>} : memref<9216xi32, #tpu.memory_space<vmem>>, vector<16xi32>,
      %shift_left3A_375 = arith.constant 3 : i32
      %shift_left3A_376 = vector.broadcast %shift_left3A_375 : i32 to vector<16xi32>
      %shift_left3A_377 = arith.shli %get3A_374, %shift_left3A_376 : vector<16xi32>
      %add3A_378 = arith.addi %add3A_369, %shift_left3A_377 : vector<16xi32>
      %mul3A_379 = arith.constant 512 : i32
      %mul3A_380 = arith.muli %squeeze3A_69, %mul3A_379 : i32
      %add3A_381 = arith.addi %mul3A_380, %mul3A_179 : i32
      %get3A_382 = arith.index_cast %add3A_381 : i32 to index
      %get3A_383 = tpu.vector_load %arg6[%get3A_382] {strides = array<i32>} : memref<9216xi32, #tpu.memory_space<vmem>>, vector<16xi32>,
      %shift_left3A_384 = arith.constant 2 : i32
      %shift_left3A_385 = vector.broadcast %shift_left3A_384 : i32 to vector<16xi32>
      %shift_left3A_386 = arith.shli %get3A_383, %shift_left3A_385 : vector<16xi32>
      %add3A_387 = arith.addi %add3A_378, %shift_left3A_386 : vector<16xi32>
      %mul3A_388 = arith.constant 512 : i32
      %mul3A_389 = arith.muli %squeeze3A_71, %mul3A_388 : i32
      %add3A_390 = arith.addi %mul3A_389, %mul3A_179 : i32
      %get3A_391 = arith.index_cast %add3A_390 : i32 to index
      %get3A_392 = tpu.vector_load %arg6[%get3A_391] {strides = array<i32>} : memref<9216xi32, #tpu.memory_space<vmem>>, vector<16xi32>,
      %shift_left3A_393 = arith.constant 1 : i32
      %shift_left3A_394 = vector.broadcast %shift_left3A_393 : i32 to vector<16xi32>
      %shift_left3A_395 = arith.shli %get3A_392, %shift_left3A_394 : vector<16xi32>
      %add3A_396 = arith.addi %add3A_387, %shift_left3A_395 : vector<16xi32>
      %mul3A_397 = arith.constant 512 : i32
      %mul3A_398 = arith.muli %squeeze3A_73, %mul3A_397 : i32
      %add3A_399 = arith.addi %mul3A_398, %mul3A_179 : i32
      %get3A_400 = arith.index_cast %add3A_399 : i32 to index
      %get3A_401 = tpu.vector_load %arg6[%get3A_400] {strides = array<i32>} : memref<9216xi32, #tpu.memory_space<vmem>>, vector<16xi32>,
      %shift_left3A_402 = arith.constant 0 : i32
      %shift_left3A_403 = vector.broadcast %shift_left3A_402 : i32 to vector<16xi32>
      %shift_left3A_404 = arith.shli %get3A_401, %shift_left3A_403 : vector<16xi32>
      %add3A_405 = arith.addi %add3A_396, %shift_left3A_404 : vector<16xi32>
      %gather3A_406 = tpu.vector_load_idx %arg7[%add3A_405] : memref<24576xf32, #tpu.memory_space<vmem>>[vector<16xi32>], vector<16xf32>,
      %add3A_407 = vector.broadcast %mul3A_179 : i32 to vector<16xi32>
      %add3A_408 = arith.addi %add3A_407, %iota3A : vector<16xi32>
      %mul3A_409 = arith.constant 6 : i32
      %mul3A_410 = vector.broadcast %mul3A_409 : i32 to vector<16xi32>
      %mul3A_411 = arith.muli %add3A_408, %mul3A_410 : vector<16xi32>
      %add3A_412 = arith.constant 1 : i32
      %add3A_413 = vector.broadcast %add3A_412 : i32 to vector<16xi32>
      %add3A_414 = arith.addi %mul3A_411, %add3A_413 : vector<16xi32>
      tpu.vector_store_idx %arg9[%add3A_414], %gather3A_406 : memref<3072xf32, #tpu.memory_space<vmem>>[vector<16xi32>], vector<16xf32>,
      %broadcast_in_dim3A_415 = arith.constant 8192 : i32
      %broadcast_in_dim3A_416 = vector.broadcast %broadcast_in_dim3A_415 : i32 to vector<16xi32>
      %mul3A_417 = arith.constant 512 : i32
      %mul3A_418 = arith.muli %squeeze3A_75, %mul3A_417 : i32
      %add3A_419 = arith.addi %mul3A_418, %mul3A_179 : i32
      %get3A_420 = arith.index_cast %add3A_419 : i32 to index
      %get3A_421 = tpu.vector_load %arg6[%get3A_420] {strides = array<i32>} : memref<9216xi32, #tpu.memory_space<vmem>>, vector<16xi32>,
      %shift_left3A_422 = arith.constant 11 : i32
      %shift_left3A_423 = vector.broadcast %shift_left3A_422 : i32 to vector<16xi32>
      %shift_left3A_424 = arith.shli %get3A_421, %shift_left3A_423 : vector<16xi32>
      %add3A_425 = arith.addi %broadcast_in_dim3A_416, %shift_left3A_424 : vector<16xi32>
      %mul3A_426 = arith.constant 512 : i32
      %mul3A_427 = arith.muli %squeeze3A_77, %mul3A_426 : i32
      %add3A_428 = arith.addi %mul3A_427, %mul3A_179 : i32
      %get3A_429 = arith.index_cast %add3A_428 : i32 to index
      %get3A_430 = tpu.vector_load %arg6[%get3A_429] {strides = array<i32>} : memref<9216xi32, #tpu.memory_space<vmem>>, vector<16xi32>,
      %shift_left3A_431 = arith.constant 10 : i32
      %shift_left3A_432 = vector.broadcast %shift_left3A_431 : i32 to vector<16xi32>
      %shift_left3A_433 = arith.shli %get3A_430, %shift_left3A_432 : vector<16xi32>
      %add3A_434 = arith.addi %add3A_425, %shift_left3A_433 : vector<16xi32>
      %mul3A_435 = arith.constant 512 : i32
      %mul3A_436 = arith.muli %squeeze3A_79, %mul3A_435 : i32
      %add3A_437 = arith.addi %mul3A_436, %mul3A_179 : i32
      %get3A_438 = arith.index_cast %add3A_437 : i32 to index
      %get3A_439 = tpu.vector_load %arg6[%get3A_438] {strides = array<i32>} : memref<9216xi32, #tpu.memory_space<vmem>>, vector<16xi32>,
      %shift_left3A_440 = arith.constant 9 : i32
      %shift_left3A_441 = vector.broadcast %shift_left3A_440 : i32 to vector<16xi32>
      %shift_left3A_442 = arith.shli %get3A_439, %shift_left3A_441 : vector<16xi32>
      %add3A_443 = arith.addi %add3A_434, %shift_left3A_442 : vector<16xi32>
      %mul3A_444 = arith.constant 512 : i32
      %mul3A_445 = arith.muli %squeeze3A_81, %mul3A_444 : i32
      %add3A_446 = arith.addi %mul3A_445, %mul3A_179 : i32
      %get3A_447 = arith.index_cast %add3A_446 : i32 to index
      %get3A_448 = tpu.vector_load %arg6[%get3A_447] {strides = array<i32>} : memref<9216xi32, #tpu.memory_space<vmem>>, vector<16xi32>,
      %shift_left3A_449 = arith.constant 8 : i32
      %shift_left3A_450 = vector.broadcast %shift_left3A_449 : i32 to vector<16xi32>
      %shift_left3A_451 = arith.shli %get3A_448, %shift_left3A_450 : vector<16xi32>
      %add3A_452 = arith.addi %add3A_443, %shift_left3A_451 : vector<16xi32>
      %mul3A_453 = arith.constant 512 : i32
      %mul3A_454 = arith.muli %squeeze3A_83, %mul3A_453 : i32
      %add3A_455 = arith.addi %mul3A_454, %mul3A_179 : i32
      %get3A_456 = arith.index_cast %add3A_455 : i32 to index
      %get3A_457 = tpu.vector_load %arg6[%get3A_456] {strides = array<i32>} : memref<9216xi32, #tpu.memory_space<vmem>>, vector<16xi32>,
      %shift_left3A_458 = arith.constant 7 : i32
      %shift_left3A_459 = vector.broadcast %shift_left3A_458 : i32 to vector<16xi32>
      %shift_left3A_460 = arith.shli %get3A_457, %shift_left3A_459 : vector<16xi32>
      %add3A_461 = arith.addi %add3A_452, %shift_left3A_460 : vector<16xi32>
      %mul3A_462 = arith.constant 512 : i32
      %mul3A_463 = arith.muli %squeeze3A_85, %mul3A_462 : i32
      %add3A_464 = arith.addi %mul3A_463, %mul3A_179 : i32
      %get3A_465 = arith.index_cast %add3A_464 : i32 to index
      %get3A_466 = tpu.vector_load %arg6[%get3A_465] {strides = array<i32>} : memref<9216xi32, #tpu.memory_space<vmem>>, vector<16xi32>,
      %shift_left3A_467 = arith.constant 6 : i32
      %shift_left3A_468 = vector.broadcast %shift_left3A_467 : i32 to vector<16xi32>
      %shift_left3A_469 = arith.shli %get3A_466, %shift_left3A_468 : vector<16xi32>
      %add3A_470 = arith.addi %add3A_461, %shift_left3A_469 : vector<16xi32>
      %mul3A_471 = arith.constant 512 : i32
      %mul3A_472 = arith.muli %squeeze3A_87, %mul3A_471 : i32
      %add3A_473 = arith.addi %mul3A_472, %mul3A_179 : i32
      %get3A_474 = arith.index_cast %add3A_473 : i32 to index
      %get3A_475 = tpu.vector_load %arg6[%get3A_474] {strides = array<i32>} : memref<9216xi32, #tpu.memory_space<vmem>>, vector<16xi32>,
      %shift_left3A_476 = arith.constant 5 : i32
      %shift_left3A_477 = vector.broadcast %shift_left3A_476 : i32 to vector<16xi32>
      %shift_left3A_478 = arith.shli %get3A_475, %shift_left3A_477 : vector<16xi32>
      %add3A_479 = arith.addi %add3A_470, %shift_left3A_478 : vector<16xi32>
      %mul3A_480 = arith.constant 512 : i32
      %mul3A_481 = arith.muli %squeeze3A_89, %mul3A_480 : i32
      %add3A_482 = arith.addi %mul3A_481, %mul3A_179 : i32
      %get3A_483 = arith.index_cast %add3A_482 : i32 to index
      %get3A_484 = tpu.vector_load %arg6[%get3A_483] {strides = array<i32>} : memref<9216xi32, #tpu.memory_space<vmem>>, vector<16xi32>,
      %shift_left3A_485 = arith.constant 4 : i32
      %shift_left3A_486 = vector.broadcast %shift_left3A_485 : i32 to vector<16xi32>
      %shift_left3A_487 = arith.shli %get3A_484, %shift_left3A_486 : vector<16xi32>
      %add3A_488 = arith.addi %add3A_479, %shift_left3A_487 : vector<16xi32>
      %mul3A_489 = arith.constant 512 : i32
      %mul3A_490 = arith.muli %squeeze3A_91, %mul3A_489 : i32
      %add3A_491 = arith.addi %mul3A_490, %mul3A_179 : i32
      %get3A_492 = arith.index_cast %add3A_491 : i32 to index
      %get3A_493 = tpu.vector_load %arg6[%get3A_492] {strides = array<i32>} : memref<9216xi32, #tpu.memory_space<vmem>>, vector<16xi32>,
      %shift_left3A_494 = arith.constant 3 : i32
      %shift_left3A_495 = vector.broadcast %shift_left3A_494 : i32 to vector<16xi32>
      %shift_left3A_496 = arith.shli %get3A_493, %shift_left3A_495 : vector<16xi32>
      %add3A_497 = arith.addi %add3A_488, %shift_left3A_496 : vector<16xi32>
      %mul3A_498 = arith.constant 512 : i32
      %mul3A_499 = arith.muli %squeeze3A_93, %mul3A_498 : i32
      %add3A_500 = arith.addi %mul3A_499, %mul3A_179 : i32
      %get3A_501 = arith.index_cast %add3A_500 : i32 to index
      %get3A_502 = tpu.vector_load %arg6[%get3A_501] {strides = array<i32>} : memref<9216xi32, #tpu.memory_space<vmem>>, vector<16xi32>,
      %shift_left3A_503 = arith.constant 2 : i32
      %shift_left3A_504 = vector.broadcast %shift_left3A_503 : i32 to vector<16xi32>
      %shift_left3A_505 = arith.shli %get3A_502, %shift_left3A_504 : vector<16xi32>
      %add3A_506 = arith.addi %add3A_497, %shift_left3A_505 : vector<16xi32>
      %mul3A_507 = arith.constant 512 : i32
      %mul3A_508 = arith.muli %squeeze3A_95, %mul3A_507 : i32
      %add3A_509 = arith.addi %mul3A_508, %mul3A_179 : i32
      %get3A_510 = arith.index_cast %add3A_509 : i32 to index
      %get3A_511 = tpu.vector_load %arg6[%get3A_510] {strides = array<i32>} : memref<9216xi32, #tpu.memory_space<vmem>>, vector<16xi32>,
      %shift_left3A_512 = arith.constant 1 : i32
      %shift_left3A_513 = vector.broadcast %shift_left3A_512 : i32 to vector<16xi32>
      %shift_left3A_514 = arith.shli %get3A_511, %shift_left3A_513 : vector<16xi32>
      %add3A_515 = arith.addi %add3A_506, %shift_left3A_514 : vector<16xi32>
      %mul3A_516 = arith.constant 512 : i32
      %mul3A_517 = arith.muli %squeeze3A_97, %mul3A_516 : i32
      %add3A_518 = arith.addi %mul3A_517, %mul3A_179 : i32
      %get3A_519 = arith.index_cast %add3A_518 : i32 to index
      %get3A_520 = tpu.vector_load %arg6[%get3A_519] {strides = array<i32>} : memref<9216xi32, #tpu.memory_space<vmem>>, vector<16xi32>,
      %shift_left3A_521 = arith.constant 0 : i32
      %shift_left3A_522 = vector.broadcast %shift_left3A_521 : i32 to vector<16xi32>
      %shift_left3A_523 = arith.shli %get3A_520, %shift_left3A_522 : vector<16xi32>
      %add3A_524 = arith.addi %add3A_515, %shift_left3A_523 : vector<16xi32>
      %gather3A_525 = tpu.vector_load_idx %arg7[%add3A_524] : memref<24576xf32, #tpu.memory_space<vmem>>[vector<16xi32>], vector<16xf32>,
      %add3A_526 = vector.broadcast %mul3A_179 : i32 to vector<16xi32>
      %add3A_527 = arith.addi %add3A_526, %iota3A : vector<16xi32>
      %mul3A_528 = arith.constant 6 : i32
      %mul3A_529 = vector.broadcast %mul3A_528 : i32 to vector<16xi32>
      %mul3A_530 = arith.muli %add3A_527, %mul3A_529 : vector<16xi32>
      %add3A_531 = arith.constant 2 : i32
      %add3A_532 = vector.broadcast %add3A_531 : i32 to vector<16xi32>
      %add3A_533 = arith.addi %mul3A_530, %add3A_532 : vector<16xi32>
      tpu.vector_store_idx %arg9[%add3A_533], %gather3A_525 : memref<3072xf32, #tpu.memory_space<vmem>>[vector<16xi32>], vector<16xf32>,
      %broadcast_in_dim3A_534 = arith.constant 12288 : i32
      %broadcast_in_dim3A_535 = vector.broadcast %broadcast_in_dim3A_534 : i32 to vector<16xi32>
      %mul3A_536 = arith.constant 512 : i32
      %mul3A_537 = arith.muli %squeeze3A_99, %mul3A_536 : i32
      %add3A_538 = arith.addi %mul3A_537, %mul3A_179 : i32
      %get3A_539 = arith.index_cast %add3A_538 : i32 to index
      %get3A_540 = tpu.vector_load %arg6[%get3A_539] {strides = array<i32>} : memref<9216xi32, #tpu.memory_space<vmem>>, vector<16xi32>,
      %shift_left3A_541 = arith.constant 11 : i32
      %shift_left3A_542 = vector.broadcast %shift_left3A_541 : i32 to vector<16xi32>
      %shift_left3A_543 = arith.shli %get3A_540, %shift_left3A_542 : vector<16xi32>
      %add3A_544 = arith.addi %broadcast_in_dim3A_535, %shift_left3A_543 : vector<16xi32>
      %mul3A_545 = arith.constant 512 : i32
      %mul3A_546 = arith.muli %squeeze3A_101, %mul3A_545 : i32
      %add3A_547 = arith.addi %mul3A_546, %mul3A_179 : i32
      %get3A_548 = arith.index_cast %add3A_547 : i32 to index
      %get3A_549 = tpu.vector_load %arg6[%get3A_548] {strides = array<i32>} : memref<9216xi32, #tpu.memory_space<vmem>>, vector<16xi32>,
      %shift_left3A_550 = arith.constant 10 : i32
      %shift_left3A_551 = vector.broadcast %shift_left3A_550 : i32 to vector<16xi32>
      %shift_left3A_552 = arith.shli %get3A_549, %shift_left3A_551 : vector<16xi32>
      %add3A_553 = arith.addi %add3A_544, %shift_left3A_552 : vector<16xi32>
      %mul3A_554 = arith.constant 512 : i32
      %mul3A_555 = arith.muli %squeeze3A_103, %mul3A_554 : i32
      %add3A_556 = arith.addi %mul3A_555, %mul3A_179 : i32
      %get3A_557 = arith.index_cast %add3A_556 : i32 to index
      %get3A_558 = tpu.vector_load %arg6[%get3A_557] {strides = array<i32>} : memref<9216xi32, #tpu.memory_space<vmem>>, vector<16xi32>,
      %shift_left3A_559 = arith.constant 9 : i32
      %shift_left3A_560 = vector.broadcast %shift_left3A_559 : i32 to vector<16xi32>
      %shift_left3A_561 = arith.shli %get3A_558, %shift_left3A_560 : vector<16xi32>
      %add3A_562 = arith.addi %add3A_553, %shift_left3A_561 : vector<16xi32>
      %mul3A_563 = arith.constant 512 : i32
      %mul3A_564 = arith.muli %squeeze3A_105, %mul3A_563 : i32
      %add3A_565 = arith.addi %mul3A_564, %mul3A_179 : i32
      %get3A_566 = arith.index_cast %add3A_565 : i32 to index
      %get3A_567 = tpu.vector_load %arg6[%get3A_566] {strides = array<i32>} : memref<9216xi32, #tpu.memory_space<vmem>>, vector<16xi32>,
      %shift_left3A_568 = arith.constant 8 : i32
      %shift_left3A_569 = vector.broadcast %shift_left3A_568 : i32 to vector<16xi32>
      %shift_left3A_570 = arith.shli %get3A_567, %shift_left3A_569 : vector<16xi32>
      %add3A_571 = arith.addi %add3A_562, %shift_left3A_570 : vector<16xi32>
      %mul3A_572 = arith.constant 512 : i32
      %mul3A_573 = arith.muli %squeeze3A_107, %mul3A_572 : i32
      %add3A_574 = arith.addi %mul3A_573, %mul3A_179 : i32
      %get3A_575 = arith.index_cast %add3A_574 : i32 to index
      %get3A_576 = tpu.vector_load %arg6[%get3A_575] {strides = array<i32>} : memref<9216xi32, #tpu.memory_space<vmem>>, vector<16xi32>,
      %shift_left3A_577 = arith.constant 7 : i32
      %shift_left3A_578 = vector.broadcast %shift_left3A_577 : i32 to vector<16xi32>
      %shift_left3A_579 = arith.shli %get3A_576, %shift_left3A_578 : vector<16xi32>
      %add3A_580 = arith.addi %add3A_571, %shift_left3A_579 : vector<16xi32>
      %mul3A_581 = arith.constant 512 : i32
      %mul3A_582 = arith.muli %squeeze3A_109, %mul3A_581 : i32
      %add3A_583 = arith.addi %mul3A_582, %mul3A_179 : i32
      %get3A_584 = arith.index_cast %add3A_583 : i32 to index
      %get3A_585 = tpu.vector_load %arg6[%get3A_584] {strides = array<i32>} : memref<9216xi32, #tpu.memory_space<vmem>>, vector<16xi32>,
      %shift_left3A_586 = arith.constant 6 : i32
      %shift_left3A_587 = vector.broadcast %shift_left3A_586 : i32 to vector<16xi32>
      %shift_left3A_588 = arith.shli %get3A_585, %shift_left3A_587 : vector<16xi32>
      %add3A_589 = arith.addi %add3A_580, %shift_left3A_588 : vector<16xi32>
      %mul3A_590 = arith.constant 512 : i32
      %mul3A_591 = arith.muli %squeeze3A_111, %mul3A_590 : i32
      %add3A_592 = arith.addi %mul3A_591, %mul3A_179 : i32
      %get3A_593 = arith.index_cast %add3A_592 : i32 to index
      %get3A_594 = tpu.vector_load %arg6[%get3A_593] {strides = array<i32>} : memref<9216xi32, #tpu.memory_space<vmem>>, vector<16xi32>,
      %shift_left3A_595 = arith.constant 5 : i32
      %shift_left3A_596 = vector.broadcast %shift_left3A_595 : i32 to vector<16xi32>
      %shift_left3A_597 = arith.shli %get3A_594, %shift_left3A_596 : vector<16xi32>
      %add3A_598 = arith.addi %add3A_589, %shift_left3A_597 : vector<16xi32>
      %mul3A_599 = arith.constant 512 : i32
      %mul3A_600 = arith.muli %squeeze3A_113, %mul3A_599 : i32
      %add3A_601 = arith.addi %mul3A_600, %mul3A_179 : i32
      %get3A_602 = arith.index_cast %add3A_601 : i32 to index
      %get3A_603 = tpu.vector_load %arg6[%get3A_602] {strides = array<i32>} : memref<9216xi32, #tpu.memory_space<vmem>>, vector<16xi32>,
      %shift_left3A_604 = arith.constant 4 : i32
      %shift_left3A_605 = vector.broadcast %shift_left3A_604 : i32 to vector<16xi32>
      %shift_left3A_606 = arith.shli %get3A_603, %shift_left3A_605 : vector<16xi32>
      %add3A_607 = arith.addi %add3A_598, %shift_left3A_606 : vector<16xi32>
      %mul3A_608 = arith.constant 512 : i32
      %mul3A_609 = arith.muli %squeeze3A_115, %mul3A_608 : i32
      %add3A_610 = arith.addi %mul3A_609, %mul3A_179 : i32
      %get3A_611 = arith.index_cast %add3A_610 : i32 to index
      %get3A_612 = tpu.vector_load %arg6[%get3A_611] {strides = array<i32>} : memref<9216xi32, #tpu.memory_space<vmem>>, vector<16xi32>,
      %shift_left3A_613 = arith.constant 3 : i32
      %shift_left3A_614 = vector.broadcast %shift_left3A_613 : i32 to vector<16xi32>
      %shift_left3A_615 = arith.shli %get3A_612, %shift_left3A_614 : vector<16xi32>
      %add3A_616 = arith.addi %add3A_607, %shift_left3A_615 : vector<16xi32>
      %mul3A_617 = arith.constant 512 : i32
      %mul3A_618 = arith.muli %squeeze3A_117, %mul3A_617 : i32
      %add3A_619 = arith.addi %mul3A_618, %mul3A_179 : i32
      %get3A_620 = arith.index_cast %add3A_619 : i32 to index
      %get3A_621 = tpu.vector_load %arg6[%get3A_620] {strides = array<i32>} : memref<9216xi32, #tpu.memory_space<vmem>>, vector<16xi32>,
      %shift_left3A_622 = arith.constant 2 : i32
      %shift_left3A_623 = vector.broadcast %shift_left3A_622 : i32 to vector<16xi32>
      %shift_left3A_624 = arith.shli %get3A_621, %shift_left3A_623 : vector<16xi32>
      %add3A_625 = arith.addi %add3A_616, %shift_left3A_624 : vector<16xi32>
      %mul3A_626 = arith.constant 512 : i32
      %mul3A_627 = arith.muli %squeeze3A_119, %mul3A_626 : i32
      %add3A_628 = arith.addi %mul3A_627, %mul3A_179 : i32
      %get3A_629 = arith.index_cast %add3A_628 : i32 to index
      %get3A_630 = tpu.vector_load %arg6[%get3A_629] {strides = array<i32>} : memref<9216xi32, #tpu.memory_space<vmem>>, vector<16xi32>,
      %shift_left3A_631 = arith.constant 1 : i32
      %shift_left3A_632 = vector.broadcast %shift_left3A_631 : i32 to vector<16xi32>
      %shift_left3A_633 = arith.shli %get3A_630, %shift_left3A_632 : vector<16xi32>
      %add3A_634 = arith.addi %add3A_625, %shift_left3A_633 : vector<16xi32>
      %mul3A_635 = arith.constant 512 : i32
      %mul3A_636 = arith.muli %squeeze3A_121, %mul3A_635 : i32
      %add3A_637 = arith.addi %mul3A_636, %mul3A_179 : i32
      %get3A_638 = arith.index_cast %add3A_637 : i32 to index
      %get3A_639 = tpu.vector_load %arg6[%get3A_638] {strides = array<i32>} : memref<9216xi32, #tpu.memory_space<vmem>>, vector<16xi32>,
      %shift_left3A_640 = arith.constant 0 : i32
      %shift_left3A_641 = vector.broadcast %shift_left3A_640 : i32 to vector<16xi32>
      %shift_left3A_642 = arith.shli %get3A_639, %shift_left3A_641 : vector<16xi32>
      %add3A_643 = arith.addi %add3A_634, %shift_left3A_642 : vector<16xi32>
      %gather3A_644 = tpu.vector_load_idx %arg7[%add3A_643] : memref<24576xf32, #tpu.memory_space<vmem>>[vector<16xi32>], vector<16xf32>,
      %add3A_645 = vector.broadcast %mul3A_179 : i32 to vector<16xi32>
      %add3A_646 = arith.addi %add3A_645, %iota3A : vector<16xi32>
      %mul3A_647 = arith.constant 6 : i32
      %mul3A_648 = vector.broadcast %mul3A_647 : i32 to vector<16xi32>
      %mul3A_649 = arith.muli %add3A_646, %mul3A_648 : vector<16xi32>
      %add3A_650 = arith.constant 3 : i32
      %add3A_651 = vector.broadcast %add3A_650 : i32 to vector<16xi32>
      %add3A_652 = arith.addi %mul3A_649, %add3A_651 : vector<16xi32>
      tpu.vector_store_idx %arg9[%add3A_652], %gather3A_644 : memref<3072xf32, #tpu.memory_space<vmem>>[vector<16xi32>], vector<16xf32>,
      %broadcast_in_dim3A_653 = arith.constant 16384 : i32
      %broadcast_in_dim3A_654 = vector.broadcast %broadcast_in_dim3A_653 : i32 to vector<16xi32>
      %mul3A_655 = arith.constant 512 : i32
      %mul3A_656 = arith.muli %squeeze3A_123, %mul3A_655 : i32
      %add3A_657 = arith.addi %mul3A_656, %mul3A_179 : i32
      %get3A_658 = arith.index_cast %add3A_657 : i32 to index
      %get3A_659 = tpu.vector_load %arg6[%get3A_658] {strides = array<i32>} : memref<9216xi32, #tpu.memory_space<vmem>>, vector<16xi32>,
      %shift_left3A_660 = arith.constant 11 : i32
      %shift_left3A_661 = vector.broadcast %shift_left3A_660 : i32 to vector<16xi32>
      %shift_left3A_662 = arith.shli %get3A_659, %shift_left3A_661 : vector<16xi32>
      %add3A_663 = arith.addi %broadcast_in_dim3A_654, %shift_left3A_662 : vector<16xi32>
      %mul3A_664 = arith.constant 512 : i32
      %mul3A_665 = arith.muli %squeeze3A_125, %mul3A_664 : i32
      %add3A_666 = arith.addi %mul3A_665, %mul3A_179 : i32
      %get3A_667 = arith.index_cast %add3A_666 : i32 to index
      %get3A_668 = tpu.vector_load %arg6[%get3A_667] {strides = array<i32>} : memref<9216xi32, #tpu.memory_space<vmem>>, vector<16xi32>,
      %shift_left3A_669 = arith.constant 10 : i32
      %shift_left3A_670 = vector.broadcast %shift_left3A_669 : i32 to vector<16xi32>
      %shift_left3A_671 = arith.shli %get3A_668, %shift_left3A_670 : vector<16xi32>
      %add3A_672 = arith.addi %add3A_663, %shift_left3A_671 : vector<16xi32>
      %mul3A_673 = arith.constant 512 : i32
      %mul3A_674 = arith.muli %squeeze3A_127, %mul3A_673 : i32
      %add3A_675 = arith.addi %mul3A_674, %mul3A_179 : i32
      %get3A_676 = arith.index_cast %add3A_675 : i32 to index
      %get3A_677 = tpu.vector_load %arg6[%get3A_676] {strides = array<i32>} : memref<9216xi32, #tpu.memory_space<vmem>>, vector<16xi32>,
      %shift_left3A_678 = arith.constant 9 : i32
      %shift_left3A_679 = vector.broadcast %shift_left3A_678 : i32 to vector<16xi32>
      %shift_left3A_680 = arith.shli %get3A_677, %shift_left3A_679 : vector<16xi32>
      %add3A_681 = arith.addi %add3A_672, %shift_left3A_680 : vector<16xi32>
      %mul3A_682 = arith.constant 512 : i32
      %mul3A_683 = arith.muli %squeeze3A_129, %mul3A_682 : i32
      %add3A_684 = arith.addi %mul3A_683, %mul3A_179 : i32
      %get3A_685 = arith.index_cast %add3A_684 : i32 to index
      %get3A_686 = tpu.vector_load %arg6[%get3A_685] {strides = array<i32>} : memref<9216xi32, #tpu.memory_space<vmem>>, vector<16xi32>,
      %shift_left3A_687 = arith.constant 8 : i32
      %shift_left3A_688 = vector.broadcast %shift_left3A_687 : i32 to vector<16xi32>
      %shift_left3A_689 = arith.shli %get3A_686, %shift_left3A_688 : vector<16xi32>
      %add3A_690 = arith.addi %add3A_681, %shift_left3A_689 : vector<16xi32>
      %mul3A_691 = arith.constant 512 : i32
      %mul3A_692 = arith.muli %squeeze3A_131, %mul3A_691 : i32
      %add3A_693 = arith.addi %mul3A_692, %mul3A_179 : i32
      %get3A_694 = arith.index_cast %add3A_693 : i32 to index
      %get3A_695 = tpu.vector_load %arg6[%get3A_694] {strides = array<i32>} : memref<9216xi32, #tpu.memory_space<vmem>>, vector<16xi32>,
      %shift_left3A_696 = arith.constant 7 : i32
      %shift_left3A_697 = vector.broadcast %shift_left3A_696 : i32 to vector<16xi32>
      %shift_left3A_698 = arith.shli %get3A_695, %shift_left3A_697 : vector<16xi32>
      %add3A_699 = arith.addi %add3A_690, %shift_left3A_698 : vector<16xi32>
      %mul3A_700 = arith.constant 512 : i32
      %mul3A_701 = arith.muli %squeeze3A_133, %mul3A_700 : i32
      %add3A_702 = arith.addi %mul3A_701, %mul3A_179 : i32
      %get3A_703 = arith.index_cast %add3A_702 : i32 to index
      %get3A_704 = tpu.vector_load %arg6[%get3A_703] {strides = array<i32>} : memref<9216xi32, #tpu.memory_space<vmem>>, vector<16xi32>,
      %shift_left3A_705 = arith.constant 6 : i32
      %shift_left3A_706 = vector.broadcast %shift_left3A_705 : i32 to vector<16xi32>
      %shift_left3A_707 = arith.shli %get3A_704, %shift_left3A_706 : vector<16xi32>
      %add3A_708 = arith.addi %add3A_699, %shift_left3A_707 : vector<16xi32>
      %mul3A_709 = arith.constant 512 : i32
      %mul3A_710 = arith.muli %squeeze3A_135, %mul3A_709 : i32
      %add3A_711 = arith.addi %mul3A_710, %mul3A_179 : i32
      %get3A_712 = arith.index_cast %add3A_711 : i32 to index
      %get3A_713 = tpu.vector_load %arg6[%get3A_712] {strides = array<i32>} : memref<9216xi32, #tpu.memory_space<vmem>>, vector<16xi32>,
      %shift_left3A_714 = arith.constant 5 : i32
      %shift_left3A_715 = vector.broadcast %shift_left3A_714 : i32 to vector<16xi32>
      %shift_left3A_716 = arith.shli %get3A_713, %shift_left3A_715 : vector<16xi32>
      %add3A_717 = arith.addi %add3A_708, %shift_left3A_716 : vector<16xi32>
      %mul3A_718 = arith.constant 512 : i32
      %mul3A_719 = arith.muli %squeeze3A_137, %mul3A_718 : i32
      %add3A_720 = arith.addi %mul3A_719, %mul3A_179 : i32
      %get3A_721 = arith.index_cast %add3A_720 : i32 to index
      %get3A_722 = tpu.vector_load %arg6[%get3A_721] {strides = array<i32>} : memref<9216xi32, #tpu.memory_space<vmem>>, vector<16xi32>,
      %shift_left3A_723 = arith.constant 4 : i32
      %shift_left3A_724 = vector.broadcast %shift_left3A_723 : i32 to vector<16xi32>
      %shift_left3A_725 = arith.shli %get3A_722, %shift_left3A_724 : vector<16xi32>
      %add3A_726 = arith.addi %add3A_717, %shift_left3A_725 : vector<16xi32>
      %mul3A_727 = arith.constant 512 : i32
      %mul3A_728 = arith.muli %squeeze3A_139, %mul3A_727 : i32
      %add3A_729 = arith.addi %mul3A_728, %mul3A_179 : i32
      %get3A_730 = arith.index_cast %add3A_729 : i32 to index
      %get3A_731 = tpu.vector_load %arg6[%get3A_730] {strides = array<i32>} : memref<9216xi32, #tpu.memory_space<vmem>>, vector<16xi32>,
      %shift_left3A_732 = arith.constant 3 : i32
      %shift_left3A_733 = vector.broadcast %shift_left3A_732 : i32 to vector<16xi32>
      %shift_left3A_734 = arith.shli %get3A_731, %shift_left3A_733 : vector<16xi32>
      %add3A_735 = arith.addi %add3A_726, %shift_left3A_734 : vector<16xi32>
      %mul3A_736 = arith.constant 512 : i32
      %mul3A_737 = arith.muli %squeeze3A_141, %mul3A_736 : i32
      %add3A_738 = arith.addi %mul3A_737, %mul3A_179 : i32
      %get3A_739 = arith.index_cast %add3A_738 : i32 to index
      %get3A_740 = tpu.vector_load %arg6[%get3A_739] {strides = array<i32>} : memref<9216xi32, #tpu.memory_space<vmem>>, vector<16xi32>,
      %shift_left3A_741 = arith.constant 2 : i32
      %shift_left3A_742 = vector.broadcast %shift_left3A_741 : i32 to vector<16xi32>
      %shift_left3A_743 = arith.shli %get3A_740, %shift_left3A_742 : vector<16xi32>
      %add3A_744 = arith.addi %add3A_735, %shift_left3A_743 : vector<16xi32>
      %mul3A_745 = arith.constant 512 : i32
      %mul3A_746 = arith.muli %squeeze3A_143, %mul3A_745 : i32
      %add3A_747 = arith.addi %mul3A_746, %mul3A_179 : i32
      %get3A_748 = arith.index_cast %add3A_747 : i32 to index
      %get3A_749 = tpu.vector_load %arg6[%get3A_748] {strides = array<i32>} : memref<9216xi32, #tpu.memory_space<vmem>>, vector<16xi32>,
      %shift_left3A_750 = arith.constant 1 : i32
      %shift_left3A_751 = vector.broadcast %shift_left3A_750 : i32 to vector<16xi32>
      %shift_left3A_752 = arith.shli %get3A_749, %shift_left3A_751 : vector<16xi32>
      %add3A_753 = arith.addi %add3A_744, %shift_left3A_752 : vector<16xi32>
      %mul3A_754 = arith.constant 512 : i32
      %mul3A_755 = arith.muli %squeeze3A_145, %mul3A_754 : i32
      %add3A_756 = arith.addi %mul3A_755, %mul3A_179 : i32
      %get3A_757 = arith.index_cast %add3A_756 : i32 to index
      %get3A_758 = tpu.vector_load %arg6[%get3A_757] {strides = array<i32>} : memref<9216xi32, #tpu.memory_space<vmem>>, vector<16xi32>,
      %shift_left3A_759 = arith.constant 0 : i32
      %shift_left3A_760 = vector.broadcast %shift_left3A_759 : i32 to vector<16xi32>
      %shift_left3A_761 = arith.shli %get3A_758, %shift_left3A_760 : vector<16xi32>
      %add3A_762 = arith.addi %add3A_753, %shift_left3A_761 : vector<16xi32>
      %gather3A_763 = tpu.vector_load_idx %arg7[%add3A_762] : memref<24576xf32, #tpu.memory_space<vmem>>[vector<16xi32>], vector<16xf32>,
      %add3A_764 = vector.broadcast %mul3A_179 : i32 to vector<16xi32>
      %add3A_765 = arith.addi %add3A_764, %iota3A : vector<16xi32>
      %mul3A_766 = arith.constant 6 : i32
      %mul3A_767 = vector.broadcast %mul3A_766 : i32 to vector<16xi32>
      %mul3A_768 = arith.muli %add3A_765, %mul3A_767 : vector<16xi32>
      %add3A_769 = arith.constant 4 : i32
      %add3A_770 = vector.broadcast %add3A_769 : i32 to vector<16xi32>
      %add3A_771 = arith.addi %mul3A_768, %add3A_770 : vector<16xi32>
      tpu.vector_store_idx %arg9[%add3A_771], %gather3A_763 : memref<3072xf32, #tpu.memory_space<vmem>>[vector<16xi32>], vector<16xf32>,
      %broadcast_in_dim3A_772 = arith.constant 20480 : i32
      %broadcast_in_dim3A_773 = vector.broadcast %broadcast_in_dim3A_772 : i32 to vector<16xi32>
      %mul3A_774 = arith.constant 512 : i32
      %mul3A_775 = arith.muli %squeeze3A_147, %mul3A_774 : i32
      %add3A_776 = arith.addi %mul3A_775, %mul3A_179 : i32
      %get3A_777 = arith.index_cast %add3A_776 : i32 to index
      %get3A_778 = tpu.vector_load %arg6[%get3A_777] {strides = array<i32>} : memref<9216xi32, #tpu.memory_space<vmem>>, vector<16xi32>,
      %shift_left3A_779 = arith.constant 11 : i32
      %shift_left3A_780 = vector.broadcast %shift_left3A_779 : i32 to vector<16xi32>
      %shift_left3A_781 = arith.shli %get3A_778, %shift_left3A_780 : vector<16xi32>
      %add3A_782 = arith.addi %broadcast_in_dim3A_773, %shift_left3A_781 : vector<16xi32>
      %mul3A_783 = arith.constant 512 : i32
      %mul3A_784 = arith.muli %squeeze3A_149, %mul3A_783 : i32
      %add3A_785 = arith.addi %mul3A_784, %mul3A_179 : i32
      %get3A_786 = arith.index_cast %add3A_785 : i32 to index
      %get3A_787 = tpu.vector_load %arg6[%get3A_786] {strides = array<i32>} : memref<9216xi32, #tpu.memory_space<vmem>>, vector<16xi32>,
      %shift_left3A_788 = arith.constant 10 : i32
      %shift_left3A_789 = vector.broadcast %shift_left3A_788 : i32 to vector<16xi32>
      %shift_left3A_790 = arith.shli %get3A_787, %shift_left3A_789 : vector<16xi32>
      %add3A_791 = arith.addi %add3A_782, %shift_left3A_790 : vector<16xi32>
      %mul3A_792 = arith.constant 512 : i32
      %mul3A_793 = arith.muli %squeeze3A_151, %mul3A_792 : i32
      %add3A_794 = arith.addi %mul3A_793, %mul3A_179 : i32
      %get3A_795 = arith.index_cast %add3A_794 : i32 to index
      %get3A_796 = tpu.vector_load %arg6[%get3A_795] {strides = array<i32>} : memref<9216xi32, #tpu.memory_space<vmem>>, vector<16xi32>,
      %shift_left3A_797 = arith.constant 9 : i32
      %shift_left3A_798 = vector.broadcast %shift_left3A_797 : i32 to vector<16xi32>
      %shift_left3A_799 = arith.shli %get3A_796, %shift_left3A_798 : vector<16xi32>
      %add3A_800 = arith.addi %add3A_791, %shift_left3A_799 : vector<16xi32>
      %mul3A_801 = arith.constant 512 : i32
      %mul3A_802 = arith.muli %squeeze3A_153, %mul3A_801 : i32
      %add3A_803 = arith.addi %mul3A_802, %mul3A_179 : i32
      %get3A_804 = arith.index_cast %add3A_803 : i32 to index
      %get3A_805 = tpu.vector_load %arg6[%get3A_804] {strides = array<i32>} : memref<9216xi32, #tpu.memory_space<vmem>>, vector<16xi32>,
      %shift_left3A_806 = arith.constant 8 : i32
      %shift_left3A_807 = vector.broadcast %shift_left3A_806 : i32 to vector<16xi32>
      %shift_left3A_808 = arith.shli %get3A_805, %shift_left3A_807 : vector<16xi32>
      %add3A_809 = arith.addi %add3A_800, %shift_left3A_808 : vector<16xi32>
      %mul3A_810 = arith.constant 512 : i32
      %mul3A_811 = arith.muli %squeeze3A_155, %mul3A_810 : i32
      %add3A_812 = arith.addi %mul3A_811, %mul3A_179 : i32
      %get3A_813 = arith.index_cast %add3A_812 : i32 to index
      %get3A_814 = tpu.vector_load %arg6[%get3A_813] {strides = array<i32>} : memref<9216xi32, #tpu.memory_space<vmem>>, vector<16xi32>,
      %shift_left3A_815 = arith.constant 7 : i32
      %shift_left3A_816 = vector.broadcast %shift_left3A_815 : i32 to vector<16xi32>
      %shift_left3A_817 = arith.shli %get3A_814, %shift_left3A_816 : vector<16xi32>
      %add3A_818 = arith.addi %add3A_809, %shift_left3A_817 : vector<16xi32>
      %mul3A_819 = arith.constant 512 : i32
      %mul3A_820 = arith.muli %squeeze3A_157, %mul3A_819 : i32
      %add3A_821 = arith.addi %mul3A_820, %mul3A_179 : i32
      %get3A_822 = arith.index_cast %add3A_821 : i32 to index
      %get3A_823 = tpu.vector_load %arg6[%get3A_822] {strides = array<i32>} : memref<9216xi32, #tpu.memory_space<vmem>>, vector<16xi32>,
      %shift_left3A_824 = arith.constant 6 : i32
      %shift_left3A_825 = vector.broadcast %shift_left3A_824 : i32 to vector<16xi32>
      %shift_left3A_826 = arith.shli %get3A_823, %shift_left3A_825 : vector<16xi32>
      %add3A_827 = arith.addi %add3A_818, %shift_left3A_826 : vector<16xi32>
      %mul3A_828 = arith.constant 512 : i32
      %mul3A_829 = arith.muli %squeeze3A_159, %mul3A_828 : i32
      %add3A_830 = arith.addi %mul3A_829, %mul3A_179 : i32
      %get3A_831 = arith.index_cast %add3A_830 : i32 to index
      %get3A_832 = tpu.vector_load %arg6[%get3A_831] {strides = array<i32>} : memref<9216xi32, #tpu.memory_space<vmem>>, vector<16xi32>,
      %shift_left3A_833 = arith.constant 5 : i32
      %shift_left3A_834 = vector.broadcast %shift_left3A_833 : i32 to vector<16xi32>
      %shift_left3A_835 = arith.shli %get3A_832, %shift_left3A_834 : vector<16xi32>
      %add3A_836 = arith.addi %add3A_827, %shift_left3A_835 : vector<16xi32>
      %mul3A_837 = arith.constant 512 : i32
      %mul3A_838 = arith.muli %squeeze3A_161, %mul3A_837 : i32
      %add3A_839 = arith.addi %mul3A_838, %mul3A_179 : i32
      %get3A_840 = arith.index_cast %add3A_839 : i32 to index
      %get3A_841 = tpu.vector_load %arg6[%get3A_840] {strides = array<i32>} : memref<9216xi32, #tpu.memory_space<vmem>>, vector<16xi32>,
      %shift_left3A_842 = arith.constant 4 : i32
      %shift_left3A_843 = vector.broadcast %shift_left3A_842 : i32 to vector<16xi32>
      %shift_left3A_844 = arith.shli %get3A_841, %shift_left3A_843 : vector<16xi32>
      %add3A_845 = arith.addi %add3A_836, %shift_left3A_844 : vector<16xi32>
      %mul3A_846 = arith.constant 512 : i32
      %mul3A_847 = arith.muli %squeeze3A_163, %mul3A_846 : i32
      %add3A_848 = arith.addi %mul3A_847, %mul3A_179 : i32
      %get3A_849 = arith.index_cast %add3A_848 : i32 to index
      %get3A_850 = tpu.vector_load %arg6[%get3A_849] {strides = array<i32>} : memref<9216xi32, #tpu.memory_space<vmem>>, vector<16xi32>,
      %shift_left3A_851 = arith.constant 3 : i32
      %shift_left3A_852 = vector.broadcast %shift_left3A_851 : i32 to vector<16xi32>
      %shift_left3A_853 = arith.shli %get3A_850, %shift_left3A_852 : vector<16xi32>
      %add3A_854 = arith.addi %add3A_845, %shift_left3A_853 : vector<16xi32>
      %mul3A_855 = arith.constant 512 : i32
      %mul3A_856 = arith.muli %squeeze3A_165, %mul3A_855 : i32
      %add3A_857 = arith.addi %mul3A_856, %mul3A_179 : i32
      %get3A_858 = arith.index_cast %add3A_857 : i32 to index
      %get3A_859 = tpu.vector_load %arg6[%get3A_858] {strides = array<i32>} : memref<9216xi32, #tpu.memory_space<vmem>>, vector<16xi32>,
      %shift_left3A_860 = arith.constant 2 : i32
      %shift_left3A_861 = vector.broadcast %shift_left3A_860 : i32 to vector<16xi32>
      %shift_left3A_862 = arith.shli %get3A_859, %shift_left3A_861 : vector<16xi32>
      %add3A_863 = arith.addi %add3A_854, %shift_left3A_862 : vector<16xi32>
      %mul3A_864 = arith.constant 512 : i32
      %mul3A_865 = arith.muli %squeeze3A_167, %mul3A_864 : i32
      %add3A_866 = arith.addi %mul3A_865, %mul3A_179 : i32
      %get3A_867 = arith.index_cast %add3A_866 : i32 to index
      %get3A_868 = tpu.vector_load %arg6[%get3A_867] {strides = array<i32>} : memref<9216xi32, #tpu.memory_space<vmem>>, vector<16xi32>,
      %shift_left3A_869 = arith.constant 1 : i32
      %shift_left3A_870 = vector.broadcast %shift_left3A_869 : i32 to vector<16xi32>
      %shift_left3A_871 = arith.shli %get3A_868, %shift_left3A_870 : vector<16xi32>
      %add3A_872 = arith.addi %add3A_863, %shift_left3A_871 : vector<16xi32>
      %mul3A_873 = arith.constant 512 : i32
      %mul3A_874 = arith.muli %squeeze3A_169, %mul3A_873 : i32
      %add3A_875 = arith.addi %mul3A_874, %mul3A_179 : i32
      %get3A_876 = arith.index_cast %add3A_875 : i32 to index
      %get3A_877 = tpu.vector_load %arg6[%get3A_876] {strides = array<i32>} : memref<9216xi32, #tpu.memory_space<vmem>>, vector<16xi32>,
      %shift_left3A_878 = arith.constant 0 : i32
      %shift_left3A_879 = vector.broadcast %shift_left3A_878 : i32 to vector<16xi32>
      %shift_left3A_880 = arith.shli %get3A_877, %shift_left3A_879 : vector<16xi32>
      %add3A_881 = arith.addi %add3A_872, %shift_left3A_880 : vector<16xi32>
      %gather3A_882 = tpu.vector_load_idx %arg7[%add3A_881] : memref<24576xf32, #tpu.memory_space<vmem>>[vector<16xi32>], vector<16xf32>,
      %add3A_883 = vector.broadcast %mul3A_179 : i32 to vector<16xi32>
      %add3A_884 = arith.addi %add3A_883, %iota3A : vector<16xi32>
      %mul3A_885 = arith.constant 6 : i32
      %mul3A_886 = vector.broadcast %mul3A_885 : i32 to vector<16xi32>
      %mul3A_887 = arith.muli %add3A_884, %mul3A_886 : vector<16xi32>
      %add3A_888 = arith.constant 5 : i32
      %add3A_889 = vector.broadcast %add3A_888 : i32 to vector<16xi32>
      %add3A_890 = arith.addi %mul3A_887, %add3A_889 : vector<16xi32>
      tpu.vector_store_idx %arg9[%add3A_890], %gather3A_882 : memref<3072xf32, #tpu.memory_space<vmem>>[vector<16xi32>], vector<16xf32>,
    }
    %scan3A_174 = arith.constant 32 : i32
    %mul3A_175 = arith.constant 6 : i32
    %mul3A_176 = arith.muli %mul3A_2, %mul3A_175 : i32
    "tpu.region"() ({
      %run_scoped3A = tpu.sem_alloc : memref<!tpu.dma_semaphore, #tpu.memory_space<semaphore_mem>>
      %dma_start3A_177 = tpu.memref_slice %arg5[%mul3A_176] : memref<98304xf32, #tpu.memory_space<hbm>> -> memref<3072xf32, #tpu.memory_space<hbm>>
      %dma_start3A_178 = tpu.memref_slice %arg5[%mul3A_176] : memref<98304xf32, #tpu.memory_space<hbm>> -> memref<3072xf32, #tpu.memory_space<hbm>>
      tpu.enqueue_dma source(%arg9 : memref<3072xf32, #tpu.memory_space<vmem>>) target(%dma_start3A_178 : memref<3072xf32, #tpu.memory_space<hbm>>) target_semaphore(%run_scoped3A : memref<!tpu.dma_semaphore, #tpu.memory_space<semaphore_mem>>)
      %dma_wait3A_179 = tpu.memref_slice %arg5[%mul3A_176] : memref<98304xf32, #tpu.memory_space<hbm>> -> memref<3072xf32, #tpu.memory_space<hbm>>
      %dma_wait3A_180 = tpu.memref_slice %arg5[%mul3A_176] : memref<98304xf32, #tpu.memory_space<hbm>> -> memref<3072xf32, #tpu.memory_space<hbm>>
      tpu.wait_dma2 semaphore(%run_scoped3A : memref<!tpu.dma_semaphore, #tpu.memory_space<semaphore_mem>>) src(%arg9 : memref<3072xf32, #tpu.memory_space<vmem>>) dst(%dma_wait3A_180 : memref<3072xf32, #tpu.memory_space<hbm>>)
      tpu.yield
    }) : () -> ()
    return
  }
}

</mosaic_0001>

<sc_bundles>
// kernel: kernel.3.cloned.1.call-start
scs
__scs_entry_jumppad:
0x0: {  	(pc) =	sbr.rel $0x88, $3  }
0x1: {  	(tag) =	ssettag $0x0;
	lr =	simm.s32 $0x1  }
0x2: {  	[smem:$0x3F9E] =	sst lr;
	_ =	strace $0xD0000000  }
0x3: {  	_ = 	snop  }
0x4: {  	_ = 	snop  }
0x5: {  	_ = 	snop  }
0x6: {  	_ = 	snop  }
0x7: {  	_ = 	snop  }
__scs_overlays_trampoline_lowered:
0x8: {  	[smem:$0x3FAD] =	sst s0  }
0x9: {  	[smem:$0x3FAE] =	sst s1  }
0xa: {  	[smem:$0x3FAF] =	sst s2  }
0xb: {  	[smem:$0x3FB0] =	sst s3  }
0xc: {  	[smem:$0x3FB1] =	sst s4  }
0xd: {  	[smem:$0x3FB2] =	sst s5  }
0xe: {  	[smem:$0x3FB3] =	sst s6  }
0xf: {  	[smem:$0x3FB4] =	sst s7  }
0x10: {  	[smem:$0x3FB5] =	sst s8  }
0x11: {  	[smem:$0x3FB6] =	sst s9;
	s0 =	simm.s32 @!p0 $0x0  }
0x12: {  	s1 =	sld [smem:$0x3F9C];
	s0 =	simm.s32 @p0 $0x1  }
0x13: {  	[smem:$0x3FB7] =	sst s0;
	s0 =	simm.s32 @!p1 $0x0  }
0x14: {  	s2 =	sld [smem:$0x3F9B];
	s0 =	simm.s32 @p1 $0x1  }
0x15: {  	[smem:$0x3FB8] =	sst s0;
	s0 =	simm.s32 @!p2 $0x0  }
0x16: {  	s3 =	sld [smem:$0x3FDB];
	s0 =	simm.s32 @p2 $0x1  }
0x17: {  	s4 =	simm.s32 $0x1BF5;
	[smem:$0x3FBA] =	sst s0  }
0x18: {  	s0 =	sld [smem:$0x3F9D];
	_ =	swait.ge [sflag:s4], $0x0  }
0x19: {  	s7 =	sld [smem:$0x3F9E]  }
0x1a: {  	s8 =	sadd.s32 $0xFFFFE003, lr  }
0x1b: {  	s9 =	sadd.s32 $0xFFFFFEF7, lr;
	s5 =	simm.s32 $0xFFFFFFFF;
	p2 =	slt.u32 s8, $0xFFFFF086  }
0x1c: {  	p1 =	slt.u32 s9, $0xF7A;
	s5 =	simm.s32 @!p2 $0x0  }
0x1d: {  	s5 =	simm.s32 @p1 $0x1;
	p0 =	seq.s32 s7, s2  }
0x1e: {  	s7 =	smul.u32 @!p0 $0xF7A, s2;
	p2 =	seq.s32 @!p0 s5, $0x0  }
0x1f: {  	s9 =	smul.u32 $0xF7A, s1;
	s8 =	simm.s32 @!p0 $0x1BF5;
	p2 =	por !p2, p0  }
0x20: {  	[sflag:s8] =	ssyncset.s32 @!p0 $0xFFFFF086;
	s6 =	sadd.s32 @!p0 s3, s7;
	s7 =	simm.s32 @!p0 $0x108  }
0x21: {  	s3 =	sadd.s32 s3, s9;
	s6 =	sadd.s32 @!p0 $0x88, s6;
	s7 =	simm.s32 @p2 $0x1082  }
0x22: {  	[simem:s7], [sflag:s8] =	dma.local @!p0 [hbm:s6], $0xF7A  }
0x23: {  	s9 =	sor.u32 $0xD0000000, s2;
	s6 =	simm.s32 $0x108;
	_ =	swait.ge @!p0 [sflag:s8], $0x0  }
0x24: {  	s3 =	sadd.s32 $0x88, s3;
	s6 =	simm.s32 @!p1 $0x1082;
	[sflag:s4] =	ssyncset.s32 $0xFFFFF086  }
0x25: {  	[simem:s6], [sflag:s4] =	dma.local [hbm:s3], $0xF7A  }
0x26: {  	[smem:$0x3F9E] =	sst s1;
	(tag) =	ssettag s2;
	_ =	strace s9  }
0x27: {  	s1 =	sld [smem:$0x3FAE]  }
0x28: {  	s2 =	sld [smem:$0x3FAF]  }
0x29: {  	s4 =	sld [smem:$0x3FB1]  }
0x2a: {  	p0 =	seq.s32 s5, $0x0;
	s5 =	sld [smem:$0x3FB2]  }
0x2b: {  	s6 =	sld [smem:$0x3FB3]  }
0x2c: {  	s7 =	sld [smem:$0x3FB4]  }
0x2d: {  	s3 =	simm.s32 $0x108;
	s8 =	sld [smem:$0x3FB5]  }
0x2e: {  	s3 =	simm.s32 @!p0 $0x1082;
	s9 =	sld [smem:$0x3FB6]  }
0x2f: {  	lr =	sadd.s32 s0, s3;
	s0 =	sld [smem:$0x3FAD]  }
0x30: {  	s3 =	sld [smem:$0x3FB0]  }
0x31: {  	[smem:$0x3FB9] =	sst s10  }
0x32: {  	s10 =	sld [smem:$0x3FB7];
	_ =	sdelay $0x3  }
0x33: {  	p0 =	seq.s32 s10, $0x1;
	s10 =	sld [smem:$0x3FB9];
	_ =	sdelay $0x3  }
0x34: {  	[smem:$0x3FB9] =	sst s10  }
0x35: {  	s10 =	sld [smem:$0x3FB8];
	_ =	sdelay $0x3  }
0x36: {  	p1 =	seq.s32 s10, $0x1;
	s10 =	sld [smem:$0x3FB9];
	_ =	sdelay $0x3  }
0x37: {  	[smem:$0x3FB9] =	sst s10  }
0x38: {  	s10 =	sld [smem:$0x3FBA]  }
0x39: {  	_ = 	snop;
	(pc) =	sbr.ind lr, $3  }
0x3a: {  	_ = 	snop  }
0x3b: {  	_ = 	snop  }
0x3c: {  	p2 =	seq.s32 s10, $0x1;
	s10 =	sld [smem:$0x3FB9]  }
0x3d: {  	_ =	shalt  }
0x3e: {  	_ =	shalt  }
0x3f: {  	_ =	shalt  }
0x40: {  	_ =	shalt  }
0x41: {  	_ =	shalt  }
0x42: {  	_ =	shalt  }
0x43: {  	_ =	shalt  }
0x44: {  	_ =	shalt  }
0x45: {  	_ =	shalt  }
0x46: {  	_ =	shalt  }
0x47: {  	_ =	shalt  }
0x48: {  	_ =	shalt  }
0x49: {  	_ =	shalt  }
0x4a: {  	_ =	shalt  }
0x4b: {  	_ =	shalt  }
0x4c: {  	_ =	shalt  }
0x4d: {  	_ =	shalt  }
0x4e: {  	_ =	shalt  }
0x4f: {  	_ =	shalt  }
0x50: {  	_ =	shalt  }
0x51: {  	_ =	shalt  }
0x52: {  	_ =	shalt  }
0x53: {  	_ =	shalt  }
0x54: {  	_ =	shalt  }
0x55: {  	_ =	shalt  }
0x56: {  	_ =	shalt  }
0x57: {  	_ =	shalt  }
0x58: {  	_ =	shalt  }
0x59: {  	_ =	shalt  }
0x5a: {  	_ =	shalt  }
0x5b: {  	_ =	shalt  }
0x5c: {  	_ =	shalt  }
0x5d: {  	_ =	shalt  }
0x5e: {  	_ =	shalt  }
0x5f: {  	_ =	shalt  }
0x60: {  	_ =	shalt  }
0x61: {  	_ =	shalt  }
0x62: {  	_ =	shalt  }
0x63: {  	_ =	shalt  }
0x64: {  	_ =	shalt  }
0x65: {  	_ =	shalt  }
0x66: {  	_ =	shalt  }
0x67: {  	_ =	shalt  }
0x68: {  	_ =	shalt  }
0x69: {  	_ =	shalt  }
0x6a: {  	_ =	shalt  }
0x6b: {  	_ =	shalt  }
0x6c: {  	_ =	shalt  }
0x6d: {  	_ =	shalt  }
0x6e: {  	_ =	shalt  }
0x6f: {  	_ =	shalt  }
0x70: {  	_ =	shalt  }
0x71: {  	_ =	shalt  }
0x72: {  	_ =	shalt  }
0x73: {  	_ =	shalt  }
0x74: {  	_ =	shalt  }
0x75: {  	_ =	shalt  }
0x76: {  	_ =	shalt  }
0x77: {  	_ =	shalt  }
0x78: {  	_ =	shalt  }
0x79: {  	_ =	shalt  }
0x7a: {  	_ =	shalt  }
0x7b: {  	_ =	shalt  }
0x7c: {  	_ =	shalt  }
0x7d: {  	_ =	shalt  }
0x7e: {  	_ =	shalt  }
0x7f: {  	_ =	shalt  }
0x80: {  	_ =	shalt  }
0x81: {  	_ =	shalt  }
0x82: {  	_ =	shalt  }
0x83: {  	_ =	shalt  }
0x84: {  	_ =	shalt  }
0x85: {  	_ =	shalt  }
0x86: {  	_ =	shalt  }
0x87: {  	_ =	shalt  }
.Lfunc_end0:
.L_simem_size_0:
called_computation_lowered:
.L_overlay_start_0:
0x88: {  	s2 =	sld [smem:$0x3FD9]  }
0x89: {  	s3 =	sld [smem:$0x3FFE];
	_ =	sdelay $0x1  }
0x8a: {  	s1 =	srdreg.scid  }
0x8b: {  	s0 =	sand.u32 $0x1, s1  }
0x8c: {  	s17 =	sshll.u32 s0, $0xA;
	s2 =	sadd.s32 s3, s2  }
0x8d: {  	s2 =	sadd.s32 s2, s17  }
0x8e: {  	[smem:$0x3FC5] =	sst s2  }
0x8f: {  	_ = 	snop  }
0x90: {  	s2 =	sld [smem:$0x3FD0];
	(tm) =	ssettm $0x1  }
0x91: {  	s18 =	sld [smem:$0x3FFB];
	_ =	sdelay $0x3  }
0x92: {  	_ =	strace s18  }
0x93: {  	s3 =	sld [smem:$0x3FFC];
	_ =	sdelay $0x3  }
0x94: {  	_ =	strace s3  }
0x95: {  	s3 =	sld [smem:$0x3FFD];
	_ =	sdelay $0x3  }
0x96: {  	_ =	strace s3  }
0x97: {  	_ =	strace $0x8FFFFFFF  }
0x98: {  	s19 =	sld [smem:$0x3FDB];
	_ =	sdelay $0x1  }
0x99: {  	s4 =	simm.s32 $_scs_section_size  }
0x9a: {  	s5 =	simm.s32 $_size__tile_overlayer_lowered;
	s6 =	simm.s32 $_tile_overlayer_lowered  }
0x9b: {  	s22 =	simm.s32 $0x1BFF;
	s21 =	sshll.u32 s6, $0x1;
	s3 =	sadd.s32 s4, s19  }
0x9c: {  	s7 =	simm.s32 $0x0;
	s20 =	sshll.u32 s5, $0x1;
	s5 =	sadd.s32 s21, s3  }
0x9d: {  	[timem:s7], [sflag:s22] =	dma.local [hbm:s5], s20  }
0x9e: {  	_ =	swait.ge [sflag:s22], s20  }
0x9f: {  	s4 =	ssub.s32 $0x0, s20;
	[sflag:s22] =	ssyncset.done $0x0  }
0xa0: {  	[sflag:s22] =	ssyncadd.s32 s4;
	_ =	sdelay $0x1  }
0xa1: {  	s23 =	simm.s32 $0x1B8B  }
0xa2: {  	_ =	swait.ge [sflag:s23], $0x1  }
0xa3: {  	[sflag:s23] =	ssyncset.done $0x0  }
0xa4: {  	s25 =	simm.s32 $0x1B8E;
	s24 =	sld [smem:$0x3FFE];
	[sflag:s23] =	ssyncadd.s32 $0xFFFFFFFF  }
0xa5: {  	s26 =	simm.s32 $execute0_lowered;
	[smem:$0x3FD2] =	sst s25  }
0xa6: {  	s5 =	sshll.u32 s26, $0x1;
	_ =	strace $0x80000046;
	[dreg:$0x1] =	wrdreg $0xFFFFFFFF  }
0xa7: {  	s28 =	simm.s32 $_size_execute0_lowered;
	s3 =	sadd.s32 s3, s5;
	[dreg:$0x0] =	wrdreg $0x0  }
0xa8: {  	s5 =	sshll.u32 s28, $0x1;
	[dreg:$0x2] =	wrdreg s3  }
0xa9: {  	[dreg:$0x3] =	wrdreg s5  }
0xaa: {  	[dreg:$0x4] =	wrdreg $0xC0  }
0xab: {  	_ =	task [dreg:s7], $0x5FFFF  }
0xac: {  	[dreg:$0x1] =	wrdreg $0xFFFFFFFF  }
0xad: {  	[dreg:$0x0] =	wrdreg $0x60  }
0xae: {  	[dreg:$0x2] =	wrdreg s24  }
0xaf: {  	[dreg:$0x3] =	wrdreg s2  }
0xb0: {  	[dreg:$0x4] =	wrdreg $0x9  }
0xb1: {  	_ =	task.clear_ibuf [dreg:s7], $0x5FFFF;
	_ =	strace $0x90000046  }
0xb2: {  	s29 =	simm.s32 $0x9;
	_ =	strace $0x80000048  }
0xb3: {  	_ =	swait.ge [sflag:s29], $0x1  }
0xb4: {  	[sflag:s29] =	ssyncadd.s32 $0xFFFFFFFF  }
0xb5: {  	_ =	strace $0x90000048  }
0xb6: {  	_ =	sfence  }
0xb7: {  	s30 =	sld [smem:$0x0];
	_ =	sdelay $0x2  }
0xb8: {  	s31 =	sshll.u32 s1, $0xD;
	s1 =	sshrl.u32 s1, $0x2  }
0xb9: {  	s3 =	sand.u32 $0x4000, s31;
	s1 =	sadd.s32 s1, s30  }
0xba: {  	s0 =	sor.u32 s3, s0;
	s1 =	sshll.u32 s1, $0x11  }
0xbb: {  	s0 =	sor.u32 s1, s0  }
0xbc: {  	s0 =	sadd.s32 $0x8F2B, s0  }
0xbd: {  	[sflag:s0] =	ssyncadd.remote.s32 $0x1  }
0xbe: {  	_ =	sfence.sel $0xFFFF  }
0xbf: {  	[dreg:$0x0] =	wrdreg $0xFFFFFFFF;
	(pc) =	sbr.abs _section_cstart, $3  }
0xc0: {  	[dreg:$0x1] =	wrdreg $0xFFFFFFFF  }
0xc1: {  	_ =	task.clear_ibuf [dreg:s7], $0x2FFFF;
	_ =	strace $0x9FFFFFFF  }
0xc2: {  	(tm) =	ssettm $0x7FFFFFFF  }
0xc3: {  	_ =	shalt  }
tec
execute0_lowered:
.L_overlay_start_1:
0x0: {  	(tag) =	ssettag $0x1  }
0x1: {  	s4 =	rddreg [dreg:$0x0];
	s1 =	srdreg.scid  }
0x2: {  	s0 =	stileid.u32;
	s6 =	rddreg [dreg:$0x1]  }
0x3: {  	s2 =	simm.s32 $0x0;
	s11 =	simm.s32 $0x8480;
	s12 =	simm.s32 $0x2  }
0x4: {  	s3 =	sand.u32 $0x1, s1;
	s5 =	sshll.u32 s0, $0x1;
	s1 =	rddreg [dreg:$0x2]  }
0x5: {  	s13 =	simm.s32 $0x0;
	[smem:$0x7FF] =	sst s2;
	s5 =	sor.u32 s3, s5  }
0x6: {  	v0 =	vlaneseq.u32;
	_ =	strace $0x80000047;
	s8 =	ssub.s32 $0x2, s3;
	s7 =	smul.u32 $0x480, s5  }
0x7: {  	v0 =	vmul.u32 $0x6, v0;
	s3 =	sadd.s32 $0x400, s4;
	s9 =	sshrl.u32 s8, $0x1;
	s10 =	smul.u32 $0x180, s5  }
0x8: {  	s8 =	ssub.s32 s8, s9;
	s9 =	simm.s32 $0x8400;
	s7 =	sadd.s32 s7, s4  }
0x9: {  	v1 =	vor.u32 $0x1, v0;
	v2 =	vadd.s32 $0x2, v0;
	s4 =	sadd.s32 $0x600, s4;
	s6 =	sadd.s32 s6, s10;
	s10 =	simm.s32 $0x1  }
0xa: {  	v3 =	vadd.s32 $0x3, v0;
	v4 =	vadd.s32 $0x4, v0;
	v5 =	vadd.s32 $0x5, v0;
	s5 =	sadd.s32 $0x1200, s7;
	s7 =	smax.u32 s8, $0x1;
	s8 =	simm.s32 $0x2400  }
.LBB2_1:
0xb: {  	[tilespmem:s2], [sflag:$0x1] =	stream.linear.gather [hbm4b:s5+s2], $0x2400, $0x38;
	[tilespmem:$0x9080] =	vst v63  }
0xc: {  	_ = 	snop  }
0xd: {  	[tilespmem:s8], [sflag:$0x1] =	stream.linear.gather [hbm4b:s4+s2], $0x6000, $0x38;
	[tilespmem:$0x9080] =	vst v63  }
0xe: {  	_ = 	snop  }
0xf: {  	[tilespmem:s9], [sflag:$0x1] =	stream.linear.gather [hbm4b:s3+s2], $0x48, $0x38;
	[tilespmem:$0x9080] =	vst v63  }
0x10: {  	_ =	swait.ge [sflag:s10], $0x2400  }
0x11: {  	[sflag:s10] =	ssyncset.done $0x0  }
0x12: {  	[sflag:s10] =	ssyncadd.s32 $0xFFFFDC00  }
0x13: {  	_ =	swait.ge [sflag:s10], $0x6000  }
0x14: {  	[sflag:s10] =	ssyncset.done $0x0  }
0x15: {  	[sflag:s10] =	ssyncadd.s32 $0xFFFFA000  }
0x16: {  	_ =	swait.ge [sflag:s10], $0x48  }
0x17: {  	[sflag:s10] =	ssyncset.done $0x0  }
0x18: {  	[sflag:s10] =	ssyncadd.s32 $0xFFFFFFB8  }
0x19: {  	v6 =	vld [tilespmem:$0x8400];
	_ =	sdelay $0x4  }
0x1a: {  	v6 =	vshll.u32 v6, $0xB  }
0x1b: {  	v6 =	vshra.s32 v6, $0x2  }
0x1c: {  	(v2sf) =	vpush v6, $0x0  }
0x1d: {  	(v2sf) =	vpush v6, $0x1  }
0x1e: {  	(v2sf) =	vpush v6, $0x2  }
0x1f: {  	(v2sf) =	vpush v6, $0x3  }
0x20: {  	(v2sf) =	vpush v6, $0x4  }
0x21: {  	v7 =	vld [tilespmem:$0x840C];
	(v2sf) =	vpush v6, $0x5  }
0x22: {  	(v2sf) =	vpush v6, $0x6  }
0x23: {  	(v2sf) =	vpush v6, $0x7  }
0x24: {  	(v2sf) =	vpush v6, $0x8  }
0x25: {  	(v2sf) =	vpush v6, $0x9  }
0x26: {  	v7 =	vshll.u32 v7, $0xB;
	(v2sf) =	vpush v6, $0xA  }
0x27: {  	(v2sf) =	vpush v6, $0xB;
	v6 =	vshra.s32 v7, $0x2  }
0x28: {  	(v2sf) =	vpush v6, $0x0  }
0x29: {  	(v2sf) =	vpush v6, $0x1  }
0x2a: {  	(v2sf) =	vpush v6, $0x2  }
0x2b: {  	s14 =	spop (v2sf);
	(v2sf) =	vpush v6, $0x3  }
0x2c: {  	[dreg:$0x3] =	wrdreg s14;
	s24 =	spop (v2sf);
	(v2sf) =	vpush v6, $0x4  }
0x2d: {  	v7 =	vld [tilespmem:$0x8418];
	[dreg:$0x4] =	wrdreg s24;
	s25 =	spop (v2sf);
	(v2sf) =	vpush v6, $0x5  }
0x2e: {  	[dreg:$0x5] =	wrdreg s25;
	s26 =	spop (v2sf);
	(v2sf) =	vpush v6, $0x6  }
0x2f: {  	[dreg:$0x6] =	wrdreg s26;
	s28 =	spop (v2sf);
	(v2sf) =	vpush v6, $0x7  }
0x30: {  	[dreg:$0x7] =	wrdreg s28;
	s29 =	spop (v2sf);
	(v2sf) =	vpush v6, $0x8  }
0x31: {  	[dreg:$0x8] =	wrdreg s29;
	s30 =	spop (v2sf);
	(v2sf) =	vpush v6, $0x9  }
0x32: {  	v7 =	vshll.u32 v7, $0xB;
	[dreg:$0x9] =	wrdreg s30;
	s31 =	spop (v2sf);
	(v2sf) =	vpush v6, $0xA  }
0x33: {  	[dreg:$0xa] =	wrdreg s31;
	s15 =	spop (v2sf);
	(v2sf) =	vpush v6, $0xB;
	v6 =	vshra.s32 v7, $0x2  }
0x34: {  	[dreg:$0xb] =	wrdreg s15;
	s16 =	spop (v2sf);
	(v2sf) =	vpush v6, $0x0  }
0x35: {  	[dreg:$0xc] =	wrdreg s16;
	s17 =	spop (v2sf);
	(v2sf) =	vpush v6, $0x1  }
0x36: {  	[dreg:$0xd] =	wrdreg s17;
	s18 =	spop (v2sf);
	(v2sf) =	vpush v6, $0x2  }
0x37: {  	[dreg:$0xe] =	wrdreg s18;
	s19 =	spop (v2sf);
	(v2sf) =	vpush v6, $0x3  }
0x38: {  	[dreg:$0xf] =	wrdreg s19;
	s20 =	spop (v2sf);
	(v2sf) =	vpush v6, $0x4  }
0x39: {  	v7 =	vld [tilespmem:$0x8424];
	[dreg:$0x10] =	wrdreg s20;
	s21 =	spop (v2sf);
	(v2sf) =	vpush v6, $0x5  }
0x3a: {  	[dreg:$0x11] =	wrdreg s21;
	s22 =	spop (v2sf);
	(v2sf) =	vpush v6, $0x6  }
0x3b: {  	[dreg:$0x12] =	wrdreg s22;
	s23 =	spop (v2sf);
	(v2sf) =	vpush v6, $0x7  }
0x3c: {  	[dreg:$0x13] =	wrdreg s23;
	s24 =	spop (v2sf);
	(v2sf) =	vpush v6, $0x8  }
0x3d: {  	[dreg:$0x14] =	wrdreg s24;
	s25 =	spop (v2sf);
	(v2sf) =	vpush v6, $0x9  }
0x3e: {  	v7 =	vshll.u32 v7, $0xB;
	[dreg:$0x15] =	wrdreg s25;
	s26 =	spop (v2sf);
	(v2sf) =	vpush v6, $0xA  }
0x3f: {  	[dreg:$0x16] =	wrdreg s26;
	s28 =	spop (v2sf);
	(v2sf) =	vpush v6, $0xB;
	v6 =	vshra.s32 v7, $0x2  }
0x40: {  	[dreg:$0x17] =	wrdreg s28;
	s29 =	spop (v2sf);
	(v2sf) =	vpush v6, $0x0  }
0x41: {  	[dreg:$0x18] =	wrdreg s29;
	s30 =	spop (v2sf);
	(v2sf) =	vpush v6, $0x1  }
0x42: {  	[dreg:$0x19] =	wrdreg s30;
	s31 =	spop (v2sf);
	(v2sf) =	vpush v6, $0x2  }
0x43: {  	[dreg:$0x1a] =	wrdreg s31;
	s15 =	spop (v2sf);
	(v2sf) =	vpush v6, $0x3  }
0x44: {  	[dreg:$0x1b] =	wrdreg s15;
	s16 =	spop (v2sf);
	(v2sf) =	vpush v6, $0x4  }
0x45: {  	v7 =	vld [tilespmem:$0x8430];
	[dreg:$0x1c] =	wrdreg s16;
	s17 =	spop (v2sf);
	(v2sf) =	vpush v6, $0x5  }
0x46: {  	[dreg:$0x1d] =	wrdreg s17;
	s18 =	spop (v2sf);
	(v2sf) =	vpush v6, $0x6  }
0x47: {  	[dreg:$0x1e] =	wrdreg s18;
	s19 =	spop (v2sf);
	(v2sf) =	vpush v6, $0x7  }
0x48: {  	[dreg:$0x1f] =	wrdreg s19;
	s20 =	spop (v2sf);
	(v2sf) =	vpush v6, $0x8  }
0x49: {  	[smem:$0x7D3] =	sst s20;
	s21 =	spop (v2sf);
	(v2sf) =	vpush v6, $0x9  }
0x4a: {  	v7 =	vshll.u32 v7, $0xB;
	[smem:$0x7D4] =	sst s21;
	s22 =	spop (v2sf);
	(v2sf) =	vpush v6, $0xA  }
0x4b: {  	[smem:$0x7D5] =	sst s22;
	s23 =	spop (v2sf);
	(v2sf) =	vpush v6, $0xB;
	v6 =	vshra.s32 v7, $0x2  }
0x4c: {  	[smem:$0x7D6] =	sst s23;
	s24 =	spop (v2sf);
	(v2sf) =	vpush v6, $0x0  }
0x4d: {  	[smem:$0x7D7] =	sst s24;
	s25 =	spop (v2sf);
	(v2sf) =	vpush v6, $0x1  }
0x4e: {  	[smem:$0x7D8] =	sst s25;
	s26 =	spop (v2sf);
	(v2sf) =	vpush v6, $0x2  }
0x4f: {  	[smem:$0x7D9] =	sst s26;
	s28 =	spop (v2sf);
	(v2sf) =	vpush v6, $0x3  }
0x50: {  	[smem:$0x7DA] =	sst s28;
	s29 =	spop (v2sf);
	(v2sf) =	vpush v6, $0x4  }
0x51: {  	v7 =	vld [tilespmem:$0x843C];
	[smem:$0x7DB] =	sst s29;
	s30 =	spop (v2sf);
	(v2sf) =	vpush v6, $0x5  }
0x52: {  	[smem:$0x7DC] =	sst s30;
	s31 =	spop (v2sf);
	(v2sf) =	vpush v6, $0x6  }
0x53: {  	[smem:$0x7DD] =	sst s31;
	s15 =	spop (v2sf);
	(v2sf) =	vpush v6, $0x7  }
0x54: {  	[smem:$0x7DE] =	sst s15;
	s16 =	spop (v2sf);
	(v2sf) =	vpush v6, $0x8  }
0x55: {  	[smem:$0x7DF] =	sst s16;
	s17 =	spop (v2sf);
	(v2sf) =	vpush v6, $0x9  }
0x56: {  	v7 =	vshll.u32 v7, $0xB;
	[smem:$0x7E0] =	sst s17;
	s18 =	spop (v2sf);
	(v2sf) =	vpush v6, $0xA  }
0x57: {  	[smem:$0x7E1] =	sst s18;
	s19 =	spop (v2sf);
	(v2sf) =	vpush v6, $0xB;
	v6 =	vshra.s32 v7, $0x2  }
0x58: {  	[smem:$0x7E2] =	sst s19;
	s20 =	spop (v2sf);
	(v2sf) =	vpush v6, $0x0  }
0x59: {  	[smem:$0x7E3] =	sst s20;
	s21 =	spop (v2sf);
	(v2sf) =	vpush v6, $0x1  }
0x5a: {  	[smem:$0x7E4] =	sst s21;
	s22 =	spop (v2sf);
	(v2sf) =	vpush v6, $0x2  }
0x5b: {  	[smem:$0x7E5] =	sst s22;
	s23 =	spop (v2sf);
	(v2sf) =	vpush v6, $0x3  }
0x5c: {  	[smem:$0x7E6] =	sst s23;
	s24 =	spop (v2sf);
	(v2sf) =	vpush v6, $0x4  }
0x5d: {  	[smem:$0x7E7] =	sst s24;
	s25 =	spop (v2sf);
	(v2sf) =	vpush v6, $0x5  }
0x5e: {  	[smem:$0x7E8] =	sst s25;
	s26 =	spop (v2sf);
	(v2sf) =	vpush v6, $0x6  }
0x5f: {  	[smem:$0x7E9] =	sst s26;
	s28 =	spop (v2sf);
	(v2sf) =	vpush v6, $0x7  }
0x60: {  	[smem:$0x7EA] =	sst s28;
	s29 =	spop (v2sf);
	(v2sf) =	vpush v6, $0x8  }
0x61: {  	[smem:$0x7EB] =	sst s29;
	s30 =	spop (v2sf);
	(v2sf) =	vpush v6, $0x9  }
0x62: {  	[smem:$0x7EC] =	sst s30;
	s31 =	spop (v2sf);
	(v2sf) =	vpush v6, $0xA  }
0x63: {  	[smem:$0x7ED] =	sst s31;
	s15 =	spop (v2sf);
	(v2sf) =	vpush v6, $0xB  }
0x64: {  	[smem:$0x7EE] =	sst s15;
	s16 =	spop (v2sf)  }
0x65: {  	[smem:$0x7EF] =	sst s16;
	s17 =	spop (v2sf)  }
0x66: {  	[smem:$0x7F0] =	sst s17;
	s18 =	spop (v2sf)  }
0x67: {  	[smem:$0x7F1] =	sst s18;
	s19 =	spop (v2sf)  }
0x68: {  	[smem:$0x7F2] =	sst s19;
	s20 =	spop (v2sf)  }
0x69: {  	[smem:$0x7F3] =	sst s20;
	s21 =	spop (v2sf)  }
0x6a: {  	[smem:$0x7F4] =	sst s21;
	s22 =	spop (v2sf)  }
0x6b: {  	[smem:$0x7F5] =	sst s22;
	s23 =	spop (v2sf)  }
0x6c: {  	[smem:$0x7F6] =	sst s23;
	s24 =	spop (v2sf)  }
0x6d: {  	[smem:$0x7F7] =	sst s24;
	s25 =	spop (v2sf)  }
0x6e: {  	[smem:$0x7F8] =	sst s25;
	s26 =	spop (v2sf)  }
0x6f: {  	[smem:$0x7F9] =	sst s26;
	s28 =	spop (v2sf)  }
0x70: {  	[smem:$0x7FA] =	sst s28;
	s29 =	spop (v2sf)  }
0x71: {  	[smem:$0x7FB] =	sst s29;
	s30 =	spop (v2sf)  }
0x72: {  	[smem:$0x7FC] =	sst s30;
	s31 =	spop (v2sf)  }
0x73: {  	s14 =	simm.s32 $0x0;
	[smem:$0x7FD] =	sst s31  }
.LBB2_2:
0x74: {  	s17 =	rddreg [dreg:$0x3];
	s16 =	sand.u32 $0x180, s14  }
0x75: {  	s18 =	rddreg [dreg:$0x4];
	s15 =	sand.u32 $0x70, s14;
	s17 =	sadd.s32 s16, s17  }
0x76: {  	s19 =	rddreg [dreg:$0x5];
	s18 =	sadd.s32 s16, s18;
	s17 =	sadd.s32 s15, s17  }
0x77: {  	s20 =	rddreg [dreg:$0x6];
	s26 =	sadd.s32 s16, s19;
	s25 =	sadd.s32 s15, s18;
	v6 =	vld [tilespmem:s17+$0x0]  }
0x78: {  	s21 =	rddreg [dreg:$0x7];
	s30 =	sadd.s32 s16, s20;
	s29 =	sadd.s32 s15, s26;
	v7 =	vld [tilespmem:s25+$0x0]  }
0x79: {  	s28 =	rddreg [dreg:$0x8];
	s23 =	sadd.s32 s16, s21;
	s22 =	sadd.s32 s15, s30;
	v8 =	vld [tilespmem:s29+$0x0]  }
0x7a: {  	s31 =	rddreg [dreg:$0x9];
	s26 =	sadd.s32 s16, s28;
	v9 =	vld [tilespmem:s22+$0x0];
	s25 =	sadd.s32 s15, s23  }
0x7b: {  	s24 =	rddreg [dreg:$0xa];
	s30 =	sadd.s32 s16, s31;
	s29 =	sadd.s32 s15, s26;
	v10 =	vld [tilespmem:s25+$0x0]  }
0x7c: {  	s28 =	rddreg [dreg:$0xb];
	s18 =	sadd.s32 s15, s30;
	s22 =	sadd.s32 s16, s24;
	v11 =	vld [tilespmem:s29+$0x0]  }
0x7d: {  	s31 =	rddreg [dreg:$0xc];
	v12 =	vld [tilespmem:s18+$0x0];
	s24 =	sadd.s32 s15, s22;
	s25 =	sadd.s32 s16, s28;
	v6 =	vshll.u32 v6, $0xB;
	v7 =	vshll.u32 v7, $0xA  }
0x7e: {  	s23 =	rddreg [dreg:$0xd];
	s28 =	sadd.s32 s16, s31;
	v61 =	vld [tilespmem:s24+$0x0];
	s26 =	sadd.s32 s15, s25;
	v6 =	vadd.s32 v6, v7;
	v7 =	vshll.u32 v8, $0x9  }
0x7f: {  	s31 =	sadd.s32 s16, s23;
	s30 =	sadd.s32 s15, s28;
	v62 =	vld [tilespmem:s26+$0x0];
	v6 =	vadd.s32 v7, v6;
	v7 =	vshll.u32 v9, $0x8  }
0x80: {  	s29 =	rddreg [dreg:$0xe];
	s18 =	sadd.s32 s15, s31;
	v63 =	vld [tilespmem:s30+$0x0];
	v6 =	vadd.s32 v7, v6;
	v7 =	vshll.u32 v10, $0x7  }
0x81: {  	s19 =	sadd.s32 s16, s29;
	v13 =	vld [tilespmem:s18+$0x0];
	v6 =	vadd.s32 v7, v6;
	v7 =	vshll.u32 v11, $0x6  }
0x82: {  	s17 =	sadd.s32 s15, s19;
	v6 =	vadd.s32 v7, v6;
	v7 =	vshll.u32 v12, $0x5  }
0x83: {  	v14 =	vld [tilespmem:s17+$0x0];
	v6 =	vadd.s32 v7, v6;
	v7 =	vshll.u32 v61, $0x4  }
0x84: {  	v6 =	vadd.s32 v7, v6;
	v7 =	vshll.u32 v62, $0x3  }
0x85: {  	v6 =	vadd.s32 v7, v6;
	v7 =	vshll.u32 v63, $0x2  }
0x86: {  	v6 =	vadd.s32 v7, v6;
	v7 =	vshll.u32 v13, $0x1  }
0x87: {  	v6 =	vadd.s32 v7, v6  }
0x88: {  	v7 =	vadd.s32 v14, v6;
	v6 =	vmov s14  }
0x89: {  	v6 =	vmul.u32 $0x6, v6;
	_ =	sdelay $0x1  }
0x8a: {  	v6 =	vbroadcast v6, $0x0;
	_ =	sdelay $0x1  }
0x8b: {  	v7 =	vld.idx.msk [tilespmem:v7+s8+$0x0], $0xffff;
	v15 =	vadd.s32 v0, v6;
	_ =	sdelay $0x2  }
0x8c: {  	s20 =	rddreg [dreg:$0xf]  }
0x8d: {  	s21 =	rddreg [dreg:$0x10];
	s17 =	sadd.s32 s16, s20  }
0x8e: {  	s22 =	rddreg [dreg:$0x11];
	s18 =	sadd.s32 s16, s21;
	s17 =	sadd.s32 s15, s17;
	[tilespmem:v15+s11+$0x0] =	vst.idx.msk $0xffff, v7  }
0x8f: {  	s23 =	rddreg [dreg:$0x12];
	s26 =	sadd.s32 s16, s22;
	s25 =	sadd.s32 s15, s18;
	v7 =	vld [tilespmem:s17+$0x0]  }
0x90: {  	s24 =	rddreg [dreg:$0x13];
	s30 =	sadd.s32 s16, s23;
	s29 =	sadd.s32 s15, s26;
	v8 =	vld [tilespmem:s25+$0x0]  }
0x91: {  	s28 =	rddreg [dreg:$0x14];
	s23 =	sadd.s32 s16, s24;
	s22 =	sadd.s32 s15, s30;
	v16 =	vld [tilespmem:s29+$0x0]  }
0x92: {  	s31 =	rddreg [dreg:$0x15];
	s26 =	sadd.s32 s16, s28;
	v17 =	vld [tilespmem:s22+$0x0];
	s25 =	sadd.s32 s15, s23  }
0x93: {  	s24 =	rddreg [dreg:$0x16];
	s30 =	sadd.s32 s16, s31;
	s29 =	sadd.s32 s15, s26;
	v18 =	vld [tilespmem:s25+$0x0]  }
0x94: {  	s28 =	rddreg [dreg:$0x17];
	s18 =	sadd.s32 s15, s30;
	s22 =	sadd.s32 s16, s24;
	v19 =	vld [tilespmem:s29+$0x0]  }
0x95: {  	s31 =	rddreg [dreg:$0x18];
	v13 =	vld [tilespmem:s18+$0x0];
	s24 =	sadd.s32 s15, s22;
	s25 =	sadd.s32 s16, s28;
	v7 =	vshll.u32 v7, $0xB;
	v8 =	vshll.u32 v8, $0xA  }
0x96: {  	s23 =	rddreg [dreg:$0x19];
	s28 =	sadd.s32 s16, s31;
	v21 =	vld [tilespmem:s24+$0x0];
	s26 =	sadd.s32 s15, s25;
	v20 =	vshll.u32 v16, $0x9;
	v7 =	vadd.s32 v8, v7  }
0x97: {  	s31 =	sadd.s32 s16, s23;
	s30 =	sadd.s32 s15, s28;
	v23 =	vld [tilespmem:s26+$0x0];
	v22 =	vshll.u32 v17, $0x8;
	v7 =	vadd.s32 v20, v7  }
0x98: {  	s29 =	rddreg [dreg:$0x1a];
	s18 =	sadd.s32 s15, s31;
	v25 =	vld [tilespmem:s30+$0x0];
	v24 =	vshll.u32 v18, $0x7;
	v7 =	vadd.s32 v22, v7  }
0x99: {  	s19 =	sadd.s32 s16, s29;
	v27 =	vld [tilespmem:s18+$0x0];
	v26 =	vshll.u32 v19, $0x6;
	v7 =	vadd.s32 v24, v7  }
0x9a: {  	s17 =	sadd.s32 s15, s19;
	v28 =	vshll.u32 v13, $0x5;
	v7 =	vadd.s32 v26, v7  }
0x9b: {  	v30 =	vld [tilespmem:s17+$0x0];
	v29 =	vshll.u32 v21, $0x4;
	v7 =	vadd.s32 v28, v7  }
0x9c: {  	v31 =	vshll.u32 v23, $0x3;
	v7 =	vadd.s32 v29, v7  }
0x9d: {  	v32 =	vshll.u32 v25, $0x2;
	v7 =	vadd.s32 v31, v7  }
0x9e: {  	v33 =	vshll.u32 v27, $0x1;
	v7 =	vadd.s32 v32, v7  }
0x9f: {  	v7 =	vadd.s32 v33, v7  }
0xa0: {  	v7 =	vadd.s32 v30, v7  }
0xa1: {  	v7 =	vadd.s32 $0x1000, v7;
	_ =	sdelay $0x4  }
0xa2: {  	v34 =	vadd.s32 v1, v6;
	v7 =	vld.idx.msk [tilespmem:v7+s8+$0x0], $0xffff  }
0xa3: {  	s21 =	rddreg [dreg:$0x1c]  }
0xa4: {  	s20 =	rddreg [dreg:$0x1b]  }
0xa5: {  	s22 =	rddreg [dreg:$0x1d]  }
0xa6: {  	s23 =	rddreg [dreg:$0x1e];
	s17 =	sadd.s32 s16, s20  }
0xa7: {  	s24 =	rddreg [dreg:$0x1f];
	s18 =	sadd.s32 s16, s21;
	s17 =	sadd.s32 s15, s17;
	[tilespmem:v34+s11+$0x0] =	vst.idx.msk $0xffff, v7  }
0xa8: {  	s28 =	sld [smem:$0x7D3];
	s26 =	sadd.s32 s16, s22;
	s25 =	sadd.s32 s15, s18;
	v7 =	vld [tilespmem:s17+$0x0]  }
0xa9: {  	s31 =	sld [smem:$0x7D4];
	s30 =	sadd.s32 s16, s23;
	s29 =	sadd.s32 s15, s26;
	v8 =	vld [tilespmem:s25+$0x0]  }
0xaa: {  	s23 =	sadd.s32 s16, s24;
	s24 =	sld [smem:$0x7D5];
	s22 =	sadd.s32 s15, s30;
	v35 =	vld [tilespmem:s29+$0x0]  }
0xab: {  	s26 =	sadd.s32 s16, s28;
	s28 =	sld [smem:$0x7D6];
	v36 =	vld [tilespmem:s22+$0x0];
	s25 =	sadd.s32 s15, s23  }
0xac: {  	s30 =	sadd.s32 s16, s31;
	s31 =	sld [smem:$0x7D7];
	s29 =	sadd.s32 s15, s26;
	v37 =	vld [tilespmem:s25+$0x0]  }
0xad: {  	s18 =	sadd.s32 s15, s30;
	s22 =	sadd.s32 s16, s24;
	s23 =	sld [smem:$0x7D8];
	v38 =	vld [tilespmem:s29+$0x0]  }
0xae: {  	v39 =	vld [tilespmem:s18+$0x0];
	s24 =	sadd.s32 s15, s22;
	s25 =	sadd.s32 s16, s28;
	v7 =	vshll.u32 v7, $0xB;
	v8 =	vshll.u32 v8, $0xA  }
0xaf: {  	s28 =	sadd.s32 s16, s31;
	s29 =	sld [smem:$0x7D9];
	v41 =	vld [tilespmem:s24+$0x0];
	s26 =	sadd.s32 s15, s25;
	v40 =	vshll.u32 v35, $0x9;
	v7 =	vadd.s32 v8, v7  }
0xb0: {  	s30 =	sadd.s32 s15, s28;
	v43 =	vld [tilespmem:s26+$0x0];
	s31 =	sadd.s32 s16, s23;
	v42 =	vshll.u32 v36, $0x8;
	v7 =	vadd.s32 v40, v7  }
0xb1: {  	v45 =	vld [tilespmem:s30+$0x0];
	s18 =	sadd.s32 s15, s31;
	v44 =	vshll.u32 v37, $0x7;
	v7 =	vadd.s32 v42, v7  }
0xb2: {  	s19 =	sadd.s32 s16, s29;
	v47 =	vld [tilespmem:s18+$0x0];
	v46 =	vshll.u32 v38, $0x6;
	v7 =	vadd.s32 v44, v7  }
0xb3: {  	v48 =	vshll.u32 v39, $0x5;
	s17 =	sadd.s32 s15, s19;
	v7 =	vadd.s32 v46, v7  }
0xb4: {  	v50 =	vld [tilespmem:s17+$0x0];
	v49 =	vshll.u32 v41, $0x4;
	v7 =	vadd.s32 v48, v7  }
0xb5: {  	v51 =	vshll.u32 v43, $0x3;
	v7 =	vadd.s32 v49, v7  }
0xb6: {  	v52 =	vshll.u32 v45, $0x2;
	v7 =	vadd.s32 v51, v7  }
0xb7: {  	v53 =	vshll.u32 v47, $0x1;
	v7 =	vadd.s32 v52, v7  }
0xb8: {  	v7 =	vadd.s32 v53, v7  }
0xb9: {  	v7 =	vadd.s32 v50, v7  }
0xba: {  	v7 =	vadd.s32 $0x2000, v7;
	_ =	sdelay $0x4  }
0xbb: {  	v54 =	vadd.s32 v2, v6;
	v7 =	vld.idx.msk [tilespmem:v7+s8+$0x0], $0xffff  }
0xbc: {  	s20 =	sld [smem:$0x7DA]  }
0xbd: {  	s21 =	sld [smem:$0x7DB]  }
0xbe: {  	s22 =	sld [smem:$0x7DC]  }
0xbf: {  	s23 =	sld [smem:$0x7DD];
	s17 =	sadd.s32 s16, s20  }
0xc0: {  	s24 =	sld [smem:$0x7DE];
	s18 =	sadd.s32 s16, s21;
	s17 =	sadd.s32 s15, s17;
	[tilespmem:v54+s11+$0x0] =	vst.idx.msk $0xffff, v7  }
0xc1: {  	s28 =	sld [smem:$0x7DF];
	s26 =	sadd.s32 s16, s22;
	s25 =	sadd.s32 s15, s18;
	v7 =	vld [tilespmem:s17+$0x0]  }
0xc2: {  	s31 =	sld [smem:$0x7E0];
	s29 =	sadd.s32 s15, s26;
	s30 =	sadd.s32 s16, s23;
	v8 =	vld [tilespmem:s25+$0x0]  }
0xc3: {  	s23 =	sadd.s32 s16, s24;
	s24 =	sld [smem:$0x7E1];
	s22 =	sadd.s32 s15, s30;
	v55 =	vld [tilespmem:s29+$0x0]  }
0xc4: {  	s26 =	sadd.s32 s16, s28;
	s28 =	sld [smem:$0x7E2];
	v56 =	vld [tilespmem:s22+$0x0];
	s25 =	sadd.s32 s15, s23  }
0xc5: {  	s30 =	sadd.s32 s16, s31;
	s31 =	sld [smem:$0x7E3];
	s29 =	sadd.s32 s15, s26;
	v57 =	vld [tilespmem:s25+$0x0]  }
0xc6: {  	s18 =	sadd.s32 s15, s30;
	s22 =	sadd.s32 s16, s24;
	s23 =	sld [smem:$0x7E4];
	v58 =	vld [tilespmem:s29+$0x0]  }
0xc7: {  	v59 =	vld [tilespmem:s18+$0x0];
	s24 =	sadd.s32 s15, s22;
	s25 =	sadd.s32 s16, s28;
	v7 =	vshll.u32 v7, $0xB;
	v8 =	vshll.u32 v8, $0xA  }
0xc8: {  	s28 =	sadd.s32 s16, s31;
	s29 =	sld [smem:$0x7E5];
	v61 =	vld [tilespmem:s24+$0x0];
	s26 =	sadd.s32 s15, s25;
	v60 =	vshll.u32 v55, $0x9;
	v7 =	vadd.s32 v8, v7  }
0xc9: {  	s30 =	sadd.s32 s15, s28;
	v63 =	vld [tilespmem:s26+$0x0];
	s31 =	sadd.s32 s16, s23;
	v62 =	vshll.u32 v56, $0x8;
	v7 =	vadd.s32 v60, v7  }
0xca: {  	v16 =	vld [tilespmem:s30+$0x0];
	s18 =	sadd.s32 s15, s31;
	v15 =	vshll.u32 v57, $0x7;
	v7 =	vadd.s32 v62, v7  }
0xcb: {  	s19 =	sadd.s32 s16, s29;
	v18 =	vld [tilespmem:s18+$0x0];
	v17 =	vshll.u32 v58, $0x6;
	v7 =	vadd.s32 v15, v7  }
0xcc: {  	v19 =	vshll.u32 v59, $0x5;
	s17 =	sadd.s32 s15, s19;
	v7 =	vadd.s32 v17, v7  }
0xcd: {  	v21 =	vld [tilespmem:s17+$0x0];
	v20 =	vshll.u32 v61, $0x4;
	v7 =	vadd.s32 v19, v7  }
0xce: {  	v22 =	vshll.u32 v63, $0x3;
	v7 =	vadd.s32 v20, v7  }
0xcf: {  	v23 =	vshll.u32 v16, $0x2;
	v7 =	vadd.s32 v22, v7  }
0xd0: {  	v24 =	vshll.u32 v18, $0x1;
	v7 =	vadd.s32 v23, v7  }
0xd1: {  	v7 =	vadd.s32 v24, v7  }
0xd2: {  	v7 =	vadd.s32 v21, v7  }
0xd3: {  	v7 =	vadd.s32 $0x3000, v7;
	_ =	sdelay $0x4  }
0xd4: {  	v25 =	vadd.s32 v3, v6;
	v7 =	vld.idx.msk [tilespmem:v7+s8+$0x0], $0xffff  }
0xd5: {  	s20 =	sld [smem:$0x7E6]  }
0xd6: {  	s21 =	sld [smem:$0x7E7]  }
0xd7: {  	s22 =	sld [smem:$0x7E8]  }
0xd8: {  	s23 =	sld [smem:$0x7E9];
	s17 =	sadd.s32 s16, s20  }
0xd9: {  	s24 =	sld [smem:$0x7EA];
	s18 =	sadd.s32 s16, s21;
	s17 =	sadd.s32 s15, s17;
	[tilespmem:v25+s11+$0x0] =	vst.idx.msk $0xffff, v7  }
0xda: {  	s28 =	sld [smem:$0x7EB];
	s26 =	sadd.s32 s16, s22;
	s25 =	sadd.s32 s15, s18;
	v7 =	vld [tilespmem:s17+$0x0]  }
0xdb: {  	s31 =	sld [smem:$0x7EC];
	s29 =	sadd.s32 s15, s26;
	s30 =	sadd.s32 s16, s23;
	v8 =	vld [tilespmem:s25+$0x0]  }
0xdc: {  	s23 =	sadd.s32 s16, s24;
	s24 =	sld [smem:$0x7ED];
	s22 =	sadd.s32 s15, s30;
	v26 =	vld [tilespmem:s29+$0x0]  }
0xdd: {  	s26 =	sadd.s32 s16, s28;
	s28 =	sld [smem:$0x7EE];
	v27 =	vld [tilespmem:s22+$0x0];
	s25 =	sadd.s32 s15, s23  }
0xde: {  	s30 =	sadd.s32 s16, s31;
	s31 =	sld [smem:$0x7EF];
	s29 =	sadd.s32 s15, s26;
	v28 =	vld [tilespmem:s25+$0x0]  }
0xdf: {  	s18 =	sadd.s32 s15, s30;
	s22 =	sadd.s32 s16, s24;
	s23 =	sld [smem:$0x7F0];
	v29 =	vld [tilespmem:s29+$0x0]  }
0xe0: {  	v30 =	vld [tilespmem:s18+$0x0];
	s24 =	sadd.s32 s15, s22;
	s25 =	sadd.s32 s16, s28;
	v7 =	vshll.u32 v7, $0xB;
	v8 =	vshll.u32 v8, $0xA  }
0xe1: {  	s28 =	sadd.s32 s16, s31;
	s29 =	sld [smem:$0x7F1];
	v32 =	vld [tilespmem:s24+$0x0];
	s26 =	sadd.s32 s15, s25;
	v31 =	vshll.u32 v26, $0x9;
	v7 =	vadd.s32 v8, v7  }
0xe2: {  	s30 =	sadd.s32 s15, s28;
	v34 =	vld [tilespmem:s26+$0x0];
	s31 =	sadd.s32 s16, s23;
	v33 =	vshll.u32 v27, $0x8;
	v7 =	vadd.s32 v31, v7  }
0xe3: {  	v36 =	vld [tilespmem:s30+$0x0];
	s18 =	sadd.s32 s15, s31;
	v35 =	vshll.u32 v28, $0x7;
	v7 =	vadd.s32 v33, v7  }
0xe4: {  	s19 =	sadd.s32 s16, s29;
	v38 =	vld [tilespmem:s18+$0x0];
	v37 =	vshll.u32 v29, $0x6;
	v7 =	vadd.s32 v35, v7  }
0xe5: {  	v39 =	vshll.u32 v30, $0x5;
	s17 =	sadd.s32 s15, s19;
	v7 =	vadd.s32 v37, v7  }
0xe6: {  	v41 =	vld [tilespmem:s17+$0x0];
	v40 =	vshll.u32 v32, $0x4;
	v7 =	vadd.s32 v39, v7  }
0xe7: {  	v42 =	vshll.u32 v34, $0x3;
	v7 =	vadd.s32 v40, v7  }
0xe8: {  	v43 =	vshll.u32 v36, $0x2;
	v7 =	vadd.s32 v42, v7  }
0xe9: {  	v44 =	vshll.u32 v38, $0x1;
	v7 =	vadd.s32 v43, v7  }
0xea: {  	v7 =	vadd.s32 v44, v7  }
0xeb: {  	v7 =	vadd.s32 v41, v7  }
0xec: {  	v7 =	vadd.s32 $0x4000, v7;
	_ =	sdelay $0x4  }
0xed: {  	v45 =	vadd.s32 v4, v6;
	v7 =	vld.idx.msk [tilespmem:v7+s8+$0x0], $0xffff  }
0xee: {  	s20 =	sld [smem:$0x7F2]  }
0xef: {  	s21 =	sld [smem:$0x7F3]  }
0xf0: {  	s22 =	sld [smem:$0x7F4]  }
0xf1: {  	s23 =	sld [smem:$0x7F5];
	s17 =	sadd.s32 s16, s20  }
0xf2: {  	s24 =	sld [smem:$0x7F6];
	s18 =	sadd.s32 s16, s21;
	s17 =	sadd.s32 s15, s17;
	[tilespmem:v45+s11+$0x0] =	vst.idx.msk $0xffff, v7  }
0xf3: {  	s28 =	sld [smem:$0x7F7];
	s26 =	sadd.s32 s16, s22;
	s25 =	sadd.s32 s15, s18;
	v7 =	vld [tilespmem:s17+$0x0]  }
0xf4: {  	s31 =	sld [smem:$0x7F8];
	s29 =	sadd.s32 s15, s26;
	s30 =	sadd.s32 s16, s23;
	v8 =	vld [tilespmem:s25+$0x0]  }
0xf5: {  	s23 =	sadd.s32 s16, s24;
	s24 =	sld [smem:$0x7F9];
	s22 =	sadd.s32 s15, s30;
	v46 =	vld [tilespmem:s29+$0x0]  }
0xf6: {  	s26 =	sadd.s32 s16, s28;
	s28 =	sld [smem:$0x7FA];
	v47 =	vld [tilespmem:s22+$0x0];
	s25 =	sadd.s32 s15, s23  }
0xf7: {  	s30 =	sadd.s32 s16, s31;
	s31 =	sld [smem:$0x7FB];
	s29 =	sadd.s32 s15, s26;
	v48 =	vld [tilespmem:s25+$0x0]  }
0xf8: {  	s18 =	sadd.s32 s15, s30;
	s21 =	sadd.s32 s16, s24;
	s22 =	sld [smem:$0x7FC];
	v49 =	vld [tilespmem:s29+$0x0]  }
0xf9: {  	s24 =	sadd.s32 s16, s28;
	v50 =	vld [tilespmem:s18+$0x0];
	s23 =	sadd.s32 s15, s21;
	v7 =	vshll.u32 v7, $0xB;
	v8 =	vshll.u32 v8, $0xA  }
0xfa: {  	s28 =	sld [smem:$0x7FD];
	s26 =	sadd.s32 s16, s31;
	v52 =	vld [tilespmem:s23+$0x0];
	s25 =	sadd.s32 s15, s24;
	v51 =	vshll.u32 v46, $0x9;
	v7 =	vadd.s32 v8, v7  }
0xfb: {  	s29 =	sadd.s32 s15, s26;
	v14 =	vld [tilespmem:s25+$0x0];
	s30 =	sadd.s32 s16, s22;
	v53 =	vshll.u32 v47, $0x8;
	v7 =	vadd.s32 v51, v7  }
0xfc: {  	v54 =	vld [tilespmem:s29+$0x0];
	s31 =	sadd.s32 s15, s30;
	v55 =	vshll.u32 v48, $0x7;
	v7 =	vadd.s32 v53, v7  }
0xfd: {  	s16 =	sadd.s32 s16, s28;
	v56 =	vld [tilespmem:s31+$0x0];
	v57 =	vshll.u32 v49, $0x6;
	v7 =	vadd.s32 v55, v7  }
0xfe: {  	s15 =	sadd.s32 s15, s16;
	v58 =	vshll.u32 v50, $0x5;
	v7 =	vadd.s32 v57, v7  }
0xff: {  	v60 =	vld [tilespmem:s15+$0x0];
	v59 =	vshll.u32 v52, $0x4;
	v7 =	vadd.s32 v58, v7  }
0x100: {  	v61 =	vshll.u32 v14, $0x3;
	v7 =	vadd.s32 v59, v7  }
0x101: {  	v62 =	vshll.u32 v54, $0x2;
	v7 =	vadd.s32 v61, v7  }
0x102: {  	v63 =	vshll.u32 v56, $0x1;
	v7 =	vadd.s32 v62, v7  }
0x103: {  	v7 =	vadd.s32 v63, v7  }
0x104: {  	v7 =	vadd.s32 v60, v7  }
0x105: {  	v7 =	vadd.s32 $0x5000, v7;
	_ =	sdelay $0x4  }
0x106: {  	p0 =	sne.s32 s14, $0x1F0;
	v6 =	vadd.s32 v5, v6;
	v7 =	vld.idx.msk [tilespmem:v7+s8+$0x0], $0xffff  }
.Ltmp0:
0x107: {  	_ = 	snop;
	(pc) =	sbr.rel @p0 .LBB2_2-.Ltmp0, $2  }
0x108: {  	_ =	sdelay $0x2  }
0x109: {  	s14 =	sadd.s32 $0x10, s14;
	[tilespmem:v6+s11+$0x0] =	vst.idx.msk $0xffff, v7  }
0x10a: {  	s13 =	sadd.s32 $0x1, s13  }
0x10b: {  	p0 =	sne.s32 s13, s7  }
.Ltmp1:
0x10c: {  	_ = 	snop;
	(pc) =	sbr.rel @p0 .LBB2_1-.Ltmp1, $4  }
0x10d: {  	[hbm4b:s6+s2] =	stream.linear.scatter [tilespmem:s11], [sflag:$0x2], $0xC00, $0x38;
	[tilespmem:$0x9080] =	vst v63  }
0x10e: {  	_ =	swait.ge [sflag:s12], $0xC00  }
0x10f: {  	[sflag:s12] =	ssyncset.done $0x0  }
0x110: {  	[sflag:s12] =	ssyncadd.s32 $0xFFFFF400  }
0x111: {  	_ =	sfence.sel $0x180000  }
0x112: {  	[bflag:$0x0] =	sbarrier.arrive $0xFFFF  }
0x113: {  	p0 =	sne.s32 s0, $0x0;
	_ =	strace $0x90000047  }
0x114: {  	s0 =	sadd.s32 @!p0 $0x100000, s1;
	[bflag:$0x2] =	sbarrier.arrive $0xFFFF  }
0x115: {  	[sflag:s0] =	ssyncadd.tile.s32 @!p0 $0x1;
	_ =	shalt  }
.Lfunc_end2:
_tile_overlayer_lowered:
.L_overlay_start_2:
0x116: {  	(tag) =	ssettag $0x2  }
0x117: {  	s0 =	rddreg [dreg:$0x0];
	s2 =	stileid.u32  }
0x118: {  	s1 =	rddreg [dreg:$0x1];
	p0 =	sne.s32 s2, $0x0  }
0x119: {  	s3 =	rddreg [dreg:$0x2];
	[bflag:$0x3] =	sbarrier.arrive $0xFFFF;
	s2 =	simm.s32 @!p0 $0x1C02  }
0x11a: {  	[timem:s3], [sflag:s2] =	dma.local @!p0 [hbm:s0], s1  }
0x11b: {  	s0 =	simm.s32 @!p0 $0x2  }
0x11c: {  	_ =	swait.ge @!p0 [sflag:s0], s1  }
0x11d: {  	s1 =	ssub.s32 @!p0 $0x0, s1;
	[sflag:s0] =	ssyncset.done @!p0 $0x0  }
0x11e: {  	[sflag:s0] =	ssyncadd.s32 @!p0 s1  }
0x11f: {  	[bflag:$0x3] =	sbarrier.arrive $0xFFFF  }
0x120: {  	_ =	shalt  }

</sc_bundles>
